<compile_context>
chip_gen: v7x
topology: tpu7x:2x2x1
jax: 0.10.2.dev20260603
libtpu: 0.0.44.dev20260713+nightly
codegen_flags: <defaults>
</compile_context>

<pallas_src>
import jax
import jax.numpy as jnp
from jax import lax
from jax.experimental import pallas as pl
from jax.experimental.pallas import tpu as pltpu
from jax.experimental.pallas import tpu_sc as plsc

N = 10000
E = 320000
D = 128
EPS = 1e-5
NC = 2
NS = 16
NW = NC * NS
EPW = E // NW
C = 80
EPWP = 10000
NCHUNK = EPWP // C
RPSP = 632
NPAD = NS * RPSP

_MESH = plsc.VectorSubcoreMesh(
    core_axis_name="c", subcore_axis_name="s",
    num_cores=NC, num_subcores=NS)


def _agg_body(h_hbm, src_hbm, dst_hbm, zrows_hbm, p_hbm,
              sa, da, sb, db, rows_a, rows_b, acc_sh,
              sem_ia, sem_ib, sem_ga, sem_gb):
  cid = lax.axis_index("c")
  sid = lax.axis_index("s")
  wid = sid * NC + cid
  pltpu.sync_copy(zrows_hbm, acc_sh.at[pl.ds(sid * RPSP, RPSP)])
  plsc.subcore_barrier()
  base = wid * EPWP

  def idx_issue(g, s_buf, d_buf, sem):
    off = base + g * C
    pltpu.async_copy(src_hbm.at[pl.ds(off, C)], s_buf, sem)
    pltpu.async_copy(dst_hbm.at[pl.ds(off, C)], d_buf, sem)

  def idx_wait(s_buf, d_buf, sem):
    pltpu.make_async_copy(src_hbm.at[pl.ds(0, C)], s_buf, sem).wait()
    pltpu.make_async_copy(dst_hbm.at[pl.ds(0, C)], d_buf, sem).wait()

  idx_issue(0, sa, da, sem_ia)
  idx_issue(1, sb, db, sem_ib)
  idx_wait(sa, da, sem_ia)
  pltpu.async_copy(h_hbm.at[sa], rows_a, sem_ga)

  def phase(g, s_x, d_x, rows_x, sem_ix, sem_iy, sem_gx, s_y, d_y, rows_y,
            sem_gy):
    pltpu.make_async_copy(h_hbm.at[s_x], rows_x, sem_gx).wait()
    idx_wait(s_y, d_y, sem_iy)
    pltpu.async_copy(h_hbm.at[s_y], rows_y, sem_gy)
    pltpu.sync_copy(rows_x, acc_sh.at[d_x], add=True)
    @pl.when(g + 2 < NCHUNK)
    def _():
      idx_issue(g + 2, s_x, d_x, sem_ix)

  def pair(g2, carry):
    ga = 2 * g2
    phase(ga, sa, da, rows_a, sem_ia, sem_ib, sem_ga, sb, db, rows_b, sem_gb)
    phase(ga + 1, sb, db, rows_b, sem_ib, sem_ia, sem_gb, sa, da, rows_a,
          sem_ga)
    return carry

  lax.fori_loop(0, (NCHUNK - 1) // 2, pair, 0)
  pltpu.make_async_copy(h_hbm.at[sa], rows_a, sem_ga).wait()
  pltpu.sync_copy(rows_a, acc_sh.at[da], add=True)
  plsc.subcore_barrier()
  pltpu.sync_copy(acc_sh.at[pl.ds(sid * RPSP, RPSP)],
                  p_hbm.at[cid, pl.ds(sid * RPSP, RPSP)])


_agg = pl.kernel(
    _agg_body,
    out_type=jax.ShapeDtypeStruct((NC, NPAD, D), jnp.float32),
    mesh=_MESH,
    scratch_types=(
        pltpu.VMEM((C,), jnp.int32),
        pltpu.VMEM((C,), jnp.int32),
        pltpu.VMEM((C,), jnp.int32),
        pltpu.VMEM((C,), jnp.int32),
        pltpu.VMEM((C, D), jnp.float32),
        pltpu.VMEM((C, D), jnp.float32),
        pltpu.VMEM_SHARED((NPAD, D), jnp.float32),
        pltpu.SemaphoreType.DMA,
        pltpu.SemaphoreType.DMA,
        pltpu.SemaphoreType.DMA,
        pltpu.SemaphoreType.DMA,
    ))


def _deg_body(dst_hbm, ones_hbm, zrows_hbm, degp_hbm,
              d_a, d_b, ones_v, dacc_sh, sem_ia, sem_ib, sem_sa, sem_sb):
  cid = lax.axis_index("c")
  sid = lax.axis_index("s")
  wid = sid * NC + cid
  pltpu.sync_copy(zrows_hbm, dacc_sh.at[pl.ds(sid * RPSP, RPSP)])
  pltpu.sync_copy(ones_hbm, ones_v)
  plsc.subcore_barrier()
  base = wid * EPWP

  def idx_issue(g, d_buf, sem):
    pltpu.async_copy(dst_hbm.at[pl.ds(base + g * C, C)], d_buf, sem)

  def idx_wait(d_buf, sem):
    pltpu.make_async_copy(dst_hbm.at[pl.ds(0, C)], d_buf, sem).wait()

  def sc_wait(d_buf, sem):
    pltpu.make_async_copy(ones_v, dacc_sh.at[d_buf], sem).wait()

  idx_issue(0, d_a, sem_ia)
  idx_issue(1, d_b, sem_ib)
  idx_wait(d_a, sem_ia)
  pltpu.async_copy(ones_v, dacc_sh.at[d_a], sem_sa, add=True)

  def phase(g, d_x, sem_ix, sem_sx, d_y, sem_iy, sem_sy):
    idx_wait(d_x, sem_ix)
    pltpu.async_copy(ones_v, dacc_sh.at[d_x], sem_sx, add=True)
    sc_wait(d_y, sem_sy)
    @pl.when(g + 1 < NCHUNK)
    def _():
      idx_issue(g + 1, d_y, sem_iy)

  def pair(g2, carry):
    g = 1 + 2 * g2
    phase(g, d_b, sem_ib, sem_sb, d_a, sem_ia, sem_sa)
    phase(g + 1, d_a, sem_ia, sem_sa, d_b, sem_ib, sem_sb)
    return carry

  lax.fori_loop(0, (NCHUNK - 1) // 2, pair, 0)
  sc_wait(d_a, sem_sa)
  plsc.subcore_barrier()
  pltpu.sync_copy(dacc_sh.at[pl.ds(sid * RPSP, RPSP)],
                  degp_hbm.at[cid, pl.ds(sid * RPSP, RPSP)])


_deg = pl.kernel(
    _deg_body,
    out_type=jax.ShapeDtypeStruct((NC, NPAD, D), jnp.float32),
    mesh=_MESH,
    scratch_types=(
        pltpu.VMEM((C,), jnp.int32),
        pltpu.VMEM((C,), jnp.int32),
        pltpu.VMEM((C, D), jnp.float32),
        pltpu.VMEM_SHARED((NPAD, D), jnp.float32),
        pltpu.SemaphoreType.DMA,
        pltpu.SemaphoreType.DMA,
        pltpu.SemaphoreType.DMA,
        pltpu.SemaphoreType.DMA,
    ))


def _tc0_body(x_ref, p_ref, degp_ref, ws_ref, wn_ref, b_ref, ga_ref, be_ref,
              out_ref, rdeg_ref):
  deg = degp_ref[0, :N, :1] + degp_ref[1, :N, :1]
  rdeg = 1.0 / jnp.maximum(deg, 1.0)
  rdeg_ref[...] = rdeg
  mean = (p_ref[0, :N] + p_ref[1, :N]) * rdeg
  z = (jnp.dot(x_ref[...], ws_ref[...], preferred_element_type=jnp.float32)
       + jnp.dot(mean, wn_ref[...], preferred_element_type=jnp.float32)
       + b_ref[...])
  mu = jnp.mean(z, axis=0, keepdims=True)
  var = jnp.mean((z - mu) * (z - mu), axis=0, keepdims=True)
  zn = ga_ref[...] * (z - mu) * lax.rsqrt(var + EPS) + be_ref[...]
  out_ref[...] = jnp.maximum(zn, 0.0)


_tc0 = pl.pallas_call(
    _tc0_body,
    out_shape=(jax.ShapeDtypeStruct((N, D), jnp.float32),
               jax.ShapeDtypeStruct((N, 1), jnp.float32)))


def _tc_mid_body(h_ref, p_ref, rdeg_ref, ws_ref, wn_ref, b_ref, ga_ref,
                 be_ref, out_ref):
  mean = (p_ref[0, :N] + p_ref[1, :N]) * rdeg_ref[...]
  z = (jnp.dot(h_ref[...], ws_ref[...], preferred_element_type=jnp.float32)
       + jnp.dot(mean, wn_ref[...], preferred_element_type=jnp.float32)
       + b_ref[...])
  mu = jnp.mean(z, axis=0, keepdims=True)
  var = jnp.mean((z - mu) * (z - mu), axis=0, keepdims=True)
  zn = ga_ref[...] * (z - mu) * lax.rsqrt(var + EPS) + be_ref[...]
  out_ref[...] = jnp.maximum(zn, 0.0)


_tc_mid = pl.pallas_call(
    _tc_mid_body,
    out_shape=jax.ShapeDtypeStruct((N, D), jnp.float32))


def _tc_last_body(h_ref, p_ref, rdeg_ref, ws_ref, wn_ref, b_ref, out_ref):
  mean = (p_ref[0, :N] + p_ref[1, :N]) * rdeg_ref[...]
  out_ref[...] = (
      jnp.dot(h_ref[...], ws_ref[...], preferred_element_type=jnp.float32)
      + jnp.dot(mean, wn_ref[...], preferred_element_type=jnp.float32)
      + b_ref[...])


_tc_last = pl.pallas_call(
    _tc_last_body,
    out_shape=jax.ShapeDtypeStruct((N, D), jnp.float32))


def kernel(x, edge_index, W_self0, W_neigh0, b0, W_self1, W_neigh1, b1,
           W_self2, W_neigh2, b2, gamma0, beta0, gamma1, beta1):
  src2 = edge_index[0].astype(jnp.int32).reshape(NW, EPW)
  dst2 = edge_index[1].astype(jnp.int32).reshape(NW, EPW)
  src = jnp.pad(src2, ((0, 0), (0, EPWP - EPW))).reshape(-1)
  dst = jnp.pad(dst2, ((0, 0), (0, EPWP - EPW)),
                constant_values=NPAD - 1).reshape(-1)
  zrows = jnp.zeros((RPSP, D), jnp.float32)
  onesrow = jnp.ones((C, D), jnp.float32)
  b0r, b1r, b2r = (b.reshape(1, D) for b in (b0, b1, b2))
  g0r, g1r = gamma0.reshape(1, D), gamma1.reshape(1, D)
  be0r, be1r = beta0.reshape(1, D), beta1.reshape(1, D)

  degp = _deg(dst, onesrow, zrows)
  p0 = _agg(x, src, dst, zrows)
  h1, rdeg = _tc0(x, p0, degp, W_self0, W_neigh0, b0r, g0r, be0r)
  p1 = _agg(h1, src, dst, zrows)
  h2 = _tc_mid(h1, p1, rdeg, W_self1, W_neigh1, b1r, g1r, be1r)
  p2 = _agg(h2, src, dst, zrows)
  out = _tc_last(h2, p2, rdeg, W_self2, W_neigh2, b2r)
  return out

# --- scband reference (transcript-rebuilt; emitter-appended) ---
"""Pipeline reference for scband-sage-17377437680278 (READ-ONLY COPY).

The authoritative reference and input builder live on the scoring server;
editing this copy changes nothing except your own understanding.
"""

import jax, jax.numpy as jnp
import numpy as np

N_NODES = 10000
N_EDGES = 320000
D_IN = 128
D_HID = 128
D_OUT = 128
EPS = 1e-5


def setup_inputs(seed: int = 0) -> dict:
    key = jax.random.key(seed)
    ks = jax.random.split(key, 16)
    x = jax.random.normal(ks[0], (N_NODES, D_IN), dtype=jnp.float32)
    edge_index = jax.random.randint(ks[1], (2, N_EDGES), 0, N_NODES, dtype=jnp.int64)
    def glorot(k, fan_in, fan_out):
        s = jnp.sqrt(6.0 / (fan_in + fan_out))
        return jax.random.uniform(k, (fan_in, fan_out), dtype=jnp.float32, minval=-s, maxval=s)
    inp = {
        "x": x,
        "edge_index": edge_index,
        "W_self0": glorot(ks[2], D_IN, D_HID),
        "W_neigh0": glorot(ks[3], D_IN, D_HID),
        "b0": jnp.zeros((D_HID,), dtype=jnp.float32),
        "W_self1": glorot(ks[4], D_HID, D_HID),
        "W_neigh1": glorot(ks[5], D_HID, D_HID),
        "b1": jnp.zeros((D_HID,), dtype=jnp.float32),
        "W_self2": glorot(ks[6], D_HID, D_OUT),
        "W_neigh2": glorot(ks[7], D_HID, D_OUT),
        "b2": jnp.zeros((D_OUT,), dtype=jnp.float32),
        "gamma0": jnp.ones((D_HID,), dtype=jnp.float32),
        "beta0": jnp.zeros((D_HID,), dtype=jnp.float32),
        "gamma1": jnp.ones((D_HID,), dtype=jnp.float32),
        "beta1": jnp.zeros((D_HID,), dtype=jnp.float32),
    }
    return inp


def _sage_conv(h, src, dst, W_self, W_neigh, b):
    # DGL SAGEConv with 'mean' aggregator:
    # h_out = fc_self(h_dst) + fc_neigh(mean_{u in N(v)} h_u) + bias
    msgs = jnp.take(h, src, axis=0)                       # gather  [E, d]
    agg = jax.ops.segment_sum(msgs, dst, num_segments=N_NODES)  # scatter-add
    deg = jax.ops.segment_sum(jnp.ones((src.shape[0],), dtype=h.dtype), dst,
                              num_segments=N_NODES)
    mean = agg / jnp.clip(deg, 1.0)[:, None]
    return h @ W_self + mean @ W_neigh + b


def _batch_norm(h, gamma, beta):
    mu = jnp.mean(h, axis=0)
    var = jnp.var(h, axis=0)
    return gamma * (h - mu) / jnp.sqrt(var + EPS) + beta


def reference(x, edge_index, W_self0, W_neigh0, b0, W_self1, W_neigh1, b1,
              W_self2, W_neigh2, b2, gamma0, beta0, gamma1, beta1):
    src = edge_index[0]
    dst = edge_index[1]
    h = x
    # layer 0
    h = _sage_conv(h, src, dst, W_self0, W_neigh0, b0)
    h = _batch_norm(h, gamma0, beta0)
    h = jax.nn.relu(h)
    # dropout: identity in eval mode
    # layer 1
    h = _sage_conv(h, src, dst, W_self1, W_neigh1, b1)
    h = _batch_norm(h, gamma1, beta1)
    h = jax.nn.relu(h)
    # layer 2 (no bn/relu/dropout)
    h = _sage_conv(h, src, dst, W_self2, W_neigh2, b2)
    return h

if __name__ == "__main__":
    import jax
    _d = setup_inputs()
    print(jax.jit(kernel)(*tuple(_d.values())))

</pallas_src>

<mosaic_0001>
#map = affine_map<(d0, d1) -> (0)>
#map1 = affine_map<(d0, d1) -> (0, 0)>
#map2 = affine_map<(d0, d1) -> (0, 0, 0)>
module attributes {stable_mosaic.version = 14 : i64} {
  func.func @_deg_body(%arg0: i32, %arg1: i32, %arg2: memref<320000xi32, #tpu.memory_space<hbm>>, %arg3: memref<80x128xf32, #tpu.memory_space<hbm>>, %arg4: memref<632x128xf32, #tpu.memory_space<hbm>>, %arg5: memref<2x10112x128xf32, #tpu.memory_space<hbm>>, %arg6: memref<80xi32, #tpu.memory_space<vmem>>, %arg7: memref<80xi32, #tpu.memory_space<vmem>>, %arg8: memref<80x128xf32, #tpu.memory_space<vmem>>, %arg9: memref<10112x128xf32, #tpu.memory_space<vmem_shared>>, %arg10: memref<!tpu.dma_semaphore, #tpu.memory_space<semaphore_mem>>, %arg11: memref<!tpu.dma_semaphore, #tpu.memory_space<semaphore_mem>>, %arg12: memref<!tpu.dma_semaphore, #tpu.memory_space<semaphore_mem>>, %arg13: memref<!tpu.dma_semaphore, #tpu.memory_space<semaphore_mem>>) attributes {dimension_semantics = [#tpu.dimension_semantics<core_parallel>, #tpu.dimension_semantics<subcore_parallel>], iteration_bounds = array<i64: 2, 16>, scalar_prefetch = 0 : i64, scratch_operands = 8 : i64, tpu.core_type = #tpu.core_type<sc_vector_subcore>, window_params = [{transform_indices = #map}, {transform_indices = #map1}, {transform_indices = #map1}, {transform_indices = #map2}]} {
    %mul3A = arith.constant 2 : i32
    %mul3A_0 = arith.muli %arg1, %mul3A : i32
    %add3A = arith.addi %mul3A_0, %arg0 : i32
    %mul3A_1 = arith.constant 632 : i32
    %mul3A_2 = arith.muli %arg1, %mul3A_1 : i32
    "tpu.region"() ({
      %run_scoped3A = tpu.sem_alloc : memref<!tpu.dma_semaphore, #tpu.memory_space<semaphore_mem>>
      %dma_start3A_31 = arith.constant 0 : i32
      %dma_start3A_32 = tpu.memref_slice %arg9[%mul3A_2, %dma_start3A_31] : memref<10112x128xf32, #tpu.memory_space<vmem_shared>> -> memref<632x128xf32, #tpu.memory_space<vmem_shared>>
      tpu.enqueue_dma source(%arg4 : memref<632x128xf32, #tpu.memory_space<hbm>>) target(%dma_start3A_32 : memref<632x128xf32, #tpu.memory_space<vmem_shared>>) target_semaphore(%run_scoped3A : memref<!tpu.dma_semaphore, #tpu.memory_space<semaphore_mem>>)
      %dma_wait3A_33 = arith.constant 0 : i32
      %dma_wait3A_34 = tpu.memref_slice %arg9[%mul3A_2, %dma_wait3A_33] : memref<10112x128xf32, #tpu.memory_space<vmem_shared>> -> memref<632x128xf32, #tpu.memory_space<vmem_shared>>
      tpu.wait_dma2 semaphore(%run_scoped3A : memref<!tpu.dma_semaphore, #tpu.memory_space<semaphore_mem>>) src(%arg4 : memref<632x128xf32, #tpu.memory_space<hbm>>) dst(%dma_wait3A_34 : memref<632x128xf32, #tpu.memory_space<vmem_shared>>)
      tpu.yield
    }) : () -> ()
    "tpu.region"() ({
      %run_scoped3A = tpu.sem_alloc : memref<!tpu.dma_semaphore, #tpu.memory_space<semaphore_mem>>
      tpu.enqueue_dma source(%arg3 : memref<80x128xf32, #tpu.memory_space<hbm>>) target(%arg8 : memref<80x128xf32, #tpu.memory_space<vmem>>) target_semaphore(%run_scoped3A : memref<!tpu.dma_semaphore, #tpu.memory_space<semaphore_mem>>)
      tpu.wait_dma2 semaphore(%run_scoped3A : memref<!tpu.dma_semaphore, #tpu.memory_space<semaphore_mem>>) src(%arg3 : memref<80x128xf32, #tpu.memory_space<hbm>>) dst(%arg8 : memref<80x128xf32, #tpu.memory_space<vmem>>)
      tpu.yield
    }) : () -> ()
    %barrier3A = arith.constant 0 : index
    tpu.barrier barrier_id(%barrier3A)
    %mul3A_3 = arith.constant 10000 : i32
    %mul3A_4 = arith.muli %add3A, %mul3A_3 : i32
    %add3A_5 = arith.constant 0 : i32
    %add3A_6 = arith.addi %mul3A_4, %add3A_5 : i32
    %dma_start3A = tpu.memref_slice %arg2[%add3A_6] : memref<320000xi32, #tpu.memory_space<hbm>> -> memref<80xi32, #tpu.memory_space<hbm>>
    %dma_start3A_7 = tpu.memref_slice %arg2[%add3A_6] : memref<320000xi32, #tpu.memory_space<hbm>> -> memref<80xi32, #tpu.memory_space<hbm>>
    tpu.enqueue_dma source(%dma_start3A_7 : memref<80xi32, #tpu.memory_space<hbm>>) target(%arg6 : memref<80xi32, #tpu.memory_space<vmem>>) target_semaphore(%arg10 : memref<!tpu.dma_semaphore, #tpu.memory_space<semaphore_mem>>)
    %add3A_8 = arith.constant 80 : i32
    %add3A_9 = arith.addi %mul3A_4, %add3A_8 : i32
    %dma_start3A_10 = tpu.memref_slice %arg2[%add3A_9] : memref<320000xi32, #tpu.memory_space<hbm>> -> memref<80xi32, #tpu.memory_space<hbm>>
    %dma_start3A_11 = tpu.memref_slice %arg2[%add3A_9] : memref<320000xi32, #tpu.memory_space<hbm>> -> memref<80xi32, #tpu.memory_space<hbm>>
    tpu.enqueue_dma source(%dma_start3A_11 : memref<80xi32, #tpu.memory_space<hbm>>) target(%arg7 : memref<80xi32, #tpu.memory_space<vmem>>) target_semaphore(%arg11 : memref<!tpu.dma_semaphore, #tpu.memory_space<semaphore_mem>>)
    %dma_wait3A = arith.constant 0 : i32
    %dma_wait3A_12 = tpu.memref_slice %arg2[%dma_wait3A] : memref<320000xi32, #tpu.memory_space<hbm>> -> memref<80xi32, #tpu.memory_space<hbm>>
    %dma_wait3A_13 = arith.constant 0 : i32
    %dma_wait3A_14 = tpu.memref_slice %arg2[%dma_wait3A_13] : memref<320000xi32, #tpu.memory_space<hbm>> -> memref<80xi32, #tpu.memory_space<hbm>>
    tpu.wait_dma2 semaphore(%arg10 : memref<!tpu.dma_semaphore, #tpu.memory_space<semaphore_mem>>) src(%dma_wait3A_14 : memref<80xi32, #tpu.memory_space<hbm>>) dst(%arg6 : memref<80xi32, #tpu.memory_space<vmem>>)
    %dma_start3A_15 = arith.constant 0 : i32
    %dma_start3A_16 = arith.constant 0 : i32
    %dma_start3A_17 = tpu.memref_slice %arg9[%dma_start3A_15, %dma_start3A_16] : memref<10112x128xf32, #tpu.memory_space<vmem_shared>> -> memref<10112x128xf32, #tpu.memory_space<vmem_shared>>
    tpu.enqueue_indirect_dma source(%arg8 : memref<80x128xf32, #tpu.memory_space<vmem>>) target(%dma_start3A_17 : memref<10112x128xf32, #tpu.memory_space<vmem_shared>>) offsets(%arg6 : memref<80xi32, #tpu.memory_space<vmem>>) semaphore(%arg12 : memref<!tpu.dma_semaphore, #tpu.memory_space<semaphore_mem>>) {add = true}
    %scan3A = arith.constant 0 : i32
    %scan3A_18 = arith.constant 0 : i32
    %scan3A_19 = arith.constant 62 : i32
    %scan3A_20 = arith.addi %scan3A_18, %scan3A_19 : i32
    %scan3A_21 = arith.constant 1 : i32
    scf.for %scan3A_31 = %scan3A_18 to %scan3A_20 step %scan3A_21  : i32 {
      %mul3A_32 = arith.constant 2 : i32
      %mul3A_33 = arith.muli %mul3A_32, %scan3A_31 : i32
      %add3A_34 = arith.constant 1 : i32
      %add3A_35 = arith.addi %add3A_34, %mul3A_33 : i32
      %dma_wait3A_36 = arith.constant 0 : i32
      %dma_wait3A_37 = tpu.memref_slice %arg2[%dma_wait3A_36] : memref<320000xi32, #tpu.memory_space<hbm>> -> memref<80xi32, #tpu.memory_space<hbm>>
      %dma_wait3A_38 = arith.constant 0 : i32
      %dma_wait3A_39 = tpu.memref_slice %arg2[%dma_wait3A_38] : memref<320000xi32, #tpu.memory_space<hbm>> -> memref<80xi32, #tpu.memory_space<hbm>>
      tpu.wait_dma2 semaphore(%arg11 : memref<!tpu.dma_semaphore, #tpu.memory_space<semaphore_mem>>) src(%dma_wait3A_39 : memref<80xi32, #tpu.memory_space<hbm>>) dst(%arg7 : memref<80xi32, #tpu.memory_space<vmem>>)
      %dma_start3A_40 = arith.constant 0 : i32
      %dma_start3A_41 = arith.constant 0 : i32
      %dma_start3A_42 = tpu.memref_slice %arg9[%dma_start3A_40, %dma_start3A_41] : memref<10112x128xf32, #tpu.memory_space<vmem_shared>> -> memref<10112x128xf32, #tpu.memory_space<vmem_shared>>
      tpu.enqueue_indirect_dma source(%arg8 : memref<80x128xf32, #tpu.memory_space<vmem>>) target(%dma_start3A_42 : memref<10112x128xf32, #tpu.memory_space<vmem_shared>>) offsets(%arg7 : memref<80xi32, #tpu.memory_space<vmem>>) semaphore(%arg13 : memref<!tpu.dma_semaphore, #tpu.memory_space<semaphore_mem>>) {add = true}
      %dma_wait3A_43 = arith.constant 0 : i32
      %dma_wait3A_44 = arith.constant 0 : i32
      %dma_wait3A_45 = tpu.memref_slice %arg9[%dma_wait3A_43, %dma_wait3A_44] : memref<10112x128xf32, #tpu.memory_space<vmem_shared>> -> memref<10112x128xf32, #tpu.memory_space<vmem_shared>>
      tpu.wait_indirect_dma semaphore(%arg12 : memref<!tpu.dma_semaphore, #tpu.memory_space<semaphore_mem>>) src(%arg8 : memref<80x128xf32, #tpu.memory_space<vmem>>) dst(%dma_wait3A_45 : memref<10112x128xf32, #tpu.memory_space<vmem_shared>>)
      %add3A_46 = arith.constant 1 : i32
      %add3A_47 = arith.addi %add3A_35, %add3A_46 : i32
      %lt3A = arith.constant 125 : i32
      %lt3A_48 = arith.cmpi slt, %add3A_47, %lt3A : i32
      %convert_element_type3A = arith.extui %lt3A_48 : i1 to i32
      %cond3A = arith.constant 0 : i32
      %cond3A_49 = arith.cmpi ne, %convert_element_type3A, %cond3A : i32
      scf.if %cond3A_49 {
        %add3A_69 = arith.constant 1 : i32
        %add3A_70 = arith.addi %add3A_35, %add3A_69 : i32
        %mul3A_71 = arith.constant 80 : i32
        %mul3A_72 = arith.muli %add3A_70, %mul3A_71 : i32
        %add3A_73 = arith.addi %mul3A_4, %mul3A_72 : i32
        %dma_start3A_74 = tpu.memref_slice %arg2[%add3A_73] : memref<320000xi32, #tpu.memory_space<hbm>> -> memref<80xi32, #tpu.memory_space<hbm>>
        %dma_start3A_75 = tpu.memref_slice %arg2[%add3A_73] : memref<320000xi32, #tpu.memory_space<hbm>> -> memref<80xi32, #tpu.memory_space<hbm>>
        tpu.enqueue_dma source(%dma_start3A_75 : memref<80xi32, #tpu.memory_space<hbm>>) target(%arg6 : memref<80xi32, #tpu.memory_space<vmem>>) target_semaphore(%arg10 : memref<!tpu.dma_semaphore, #tpu.memory_space<semaphore_mem>>)
      } else {
      }
      %add3A_50 = arith.constant 1 : i32
      %add3A_51 = arith.addi %add3A_35, %add3A_50 : i32
      %dma_wait3A_52 = arith.constant 0 : i32
      %dma_wait3A_53 = tpu.memref_slice %arg2[%dma_wait3A_52] : memref<320000xi32, #tpu.memory_space<hbm>> -> memref<80xi32, #tpu.memory_space<hbm>>
      %dma_wait3A_54 = arith.constant 0 : i32
      %dma_wait3A_55 = tpu.memref_slice %arg2[%dma_wait3A_54] : memref<320000xi32, #tpu.memory_space<hbm>> -> memref<80xi32, #tpu.memory_space<hbm>>
      tpu.wait_dma2 semaphore(%arg10 : memref<!tpu.dma_semaphore, #tpu.memory_space<semaphore_mem>>) src(%dma_wait3A_55 : memref<80xi32, #tpu.memory_space<hbm>>) dst(%arg6 : memref<80xi32, #tpu.memory_space<vmem>>)
      %dma_start3A_56 = arith.constant 0 : i32
      %dma_start3A_57 = arith.constant 0 : i32
      %dma_start3A_58 = tpu.memref_slice %arg9[%dma_start3A_56, %dma_start3A_57] : memref<10112x128xf32, #tpu.memory_space<vmem_shared>> -> memref<10112x128xf32, #tpu.memory_space<vmem_shared>>
      tpu.enqueue_indirect_dma source(%arg8 : memref<80x128xf32, #tpu.memory_space<vmem>>) target(%dma_start3A_58 : memref<10112x128xf32, #tpu.memory_space<vmem_shared>>) offsets(%arg6 : memref<80xi32, #tpu.memory_space<vmem>>) semaphore(%arg12 : memref<!tpu.dma_semaphore, #tpu.memory_space<semaphore_mem>>) {add = true}
      %dma_wait3A_59 = arith.constant 0 : i32
      %dma_wait3A_60 = arith.constant 0 : i32
      %dma_wait3A_61 = tpu.memref_slice %arg9[%dma_wait3A_59, %dma_wait3A_60] : memref<10112x128xf32, #tpu.memory_space<vmem_shared>> -> memref<10112x128xf32, #tpu.memory_space<vmem_shared>>
      tpu.wait_indirect_dma semaphore(%arg13 : memref<!tpu.dma_semaphore, #tpu.memory_space<semaphore_mem>>) src(%arg8 : memref<80x128xf32, #tpu.memory_space<vmem>>) dst(%dma_wait3A_61 : memref<10112x128xf32, #tpu.memory_space<vmem_shared>>)
      %add3A_62 = arith.constant 1 : i32
      %add3A_63 = arith.addi %add3A_51, %add3A_62 : i32
      %lt3A_64 = arith.constant 125 : i32
      %lt3A_65 = arith.cmpi slt, %add3A_63, %lt3A_64 : i32
      %convert_element_type3A_66 = arith.extui %lt3A_65 : i1 to i32
      %cond3A_67 = arith.constant 0 : i32
      %cond3A_68 = arith.cmpi ne, %convert_element_type3A_66, %cond3A_67 : i32
      scf.if %cond3A_68 {
        %add3A_69 = arith.constant 1 : i32
        %add3A_70 = arith.addi %add3A_51, %add3A_69 : i32
        %mul3A_71 = arith.constant 80 : i32
        %mul3A_72 = arith.muli %add3A_70, %mul3A_71 : i32
        %add3A_73 = arith.addi %mul3A_4, %mul3A_72 : i32
        %dma_start3A_74 = tpu.memref_slice %arg2[%add3A_73] : memref<320000xi32, #tpu.memory_space<hbm>> -> memref<80xi32, #tpu.memory_space<hbm>>
        %dma_start3A_75 = tpu.memref_slice %arg2[%add3A_73] : memref<320000xi32, #tpu.memory_space<hbm>> -> memref<80xi32, #tpu.memory_space<hbm>>
        tpu.enqueue_dma source(%dma_start3A_75 : memref<80xi32, #tpu.memory_space<hbm>>) target(%arg7 : memref<80xi32, #tpu.memory_space<vmem>>) target_semaphore(%arg11 : memref<!tpu.dma_semaphore, #tpu.memory_space<semaphore_mem>>)
      } else {
      }
    }
    %scan3A_22 = arith.constant 62 : i32
    %dma_wait3A_23 = arith.constant 0 : i32
    %dma_wait3A_24 = arith.constant 0 : i32
    %dma_wait3A_25 = tpu.memref_slice %arg9[%dma_wait3A_23, %dma_wait3A_24] : memref<10112x128xf32, #tpu.memory_space<vmem_shared>> -> memref<10112x128xf32, #tpu.memory_space<vmem_shared>>
    tpu.wait_indirect_dma semaphore(%arg12 : memref<!tpu.dma_semaphore, #tpu.memory_space<semaphore_mem>>) src(%arg8 : memref<80x128xf32, #tpu.memory_space<vmem>>) dst(%dma_wait3A_25 : memref<10112x128xf32, #tpu.memory_space<vmem_shared>>)
    %barrier3A_26 = arith.constant 0 : index
    tpu.barrier barrier_id(%barrier3A_26)
    %mul3A_27 = arith.constant 632 : i32
    %mul3A_28 = arith.muli %arg1, %mul3A_27 : i32
    %mul3A_29 = arith.constant 632 : i32
    %mul3A_30 = arith.muli %arg1, %mul3A_29 : i32
    "tpu.region"() ({
      %run_scoped3A = tpu.sem_alloc : memref<!tpu.dma_semaphore, #tpu.memory_space<semaphore_mem>>
      %dma_start3A_31 = arith.constant 0 : i32
      %dma_start3A_32 = tpu.memref_slice %arg5[%arg0, %mul3A_30, %dma_start3A_31] : memref<2x10112x128xf32, #tpu.memory_space<hbm>> -> memref<1x632x128xf32, #tpu.memory_space<hbm>>
      %dma_start3A_33 = tpu.memref_squeeze %dma_start3A_32 : memref<1x632x128xf32, #tpu.memory_space<hbm>> -> memref<632x128xf32, #tpu.memory_space<hbm>>
      %dma_start3A_34 = arith.constant 0 : i32
      %dma_start3A_35 = tpu.memref_slice %arg9[%mul3A_28, %dma_start3A_34] : memref<10112x128xf32, #tpu.memory_space<vmem_shared>> -> memref<632x128xf32, #tpu.memory_space<vmem_shared>>
      tpu.enqueue_dma source(%dma_start3A_35 : memref<632x128xf32, #tpu.memory_space<vmem_shared>>) target(%dma_start3A_33 : memref<632x128xf32, #tpu.memory_space<hbm>>) target_semaphore(%run_scoped3A : memref<!tpu.dma_semaphore, #tpu.memory_space<semaphore_mem>>)
      %dma_wait3A_36 = arith.constant 0 : i32
      %dma_wait3A_37 = tpu.memref_slice %arg5[%arg0, %mul3A_30, %dma_wait3A_36] : memref<2x10112x128xf32, #tpu.memory_space<hbm>> -> memref<1x632x128xf32, #tpu.memory_space<hbm>>
      %dma_wait3A_38 = tpu.memref_squeeze %dma_wait3A_37 : memref<1x632x128xf32, #tpu.memory_space<hbm>> -> memref<632x128xf32, #tpu.memory_space<hbm>>
      %dma_wait3A_39 = arith.constant 0 : i32
      %dma_wait3A_40 = tpu.memref_slice %arg9[%mul3A_28, %dma_wait3A_39] : memref<10112x128xf32, #tpu.memory_space<vmem_shared>> -> memref<632x128xf32, #tpu.memory_space<vmem_shared>>
      tpu.wait_dma2 semaphore(%run_scoped3A : memref<!tpu.dma_semaphore, #tpu.memory_space<semaphore_mem>>) src(%dma_wait3A_40 : memref<632x128xf32, #tpu.memory_space<vmem_shared>>) dst(%dma_wait3A_38 : memref<632x128xf32, #tpu.memory_space<hbm>>)
      tpu.yield
    }) : () -> ()
    return
  }
}

#map = affine_map<(d0, d1) -> (0, 0)>
#map1 = affine_map<(d0, d1) -> (0)>
#map2 = affine_map<(d0, d1) -> (0, 0, 0)>
module attributes {stable_mosaic.version = 14 : i64} {
  func.func @_agg_body(%arg0: i32, %arg1: i32, %arg2: memref<10000x128xf32, #tpu.memory_space<hbm>>, %arg3: memref<320000xi32, #tpu.memory_space<hbm>>, %arg4: memref<320000xi32, #tpu.memory_space<hbm>>, %arg5: memref<632x128xf32, #tpu.memory_space<hbm>>, %arg6: memref<2x10112x128xf32, #tpu.memory_space<hbm>>, %arg7: memref<80xi32, #tpu.memory_space<vmem>>, %arg8: memref<80xi32, #tpu.memory_space<vmem>>, %arg9: memref<80xi32, #tpu.memory_space<vmem>>, %arg10: memref<80xi32, #tpu.memory_space<vmem>>, %arg11: memref<80x128xf32, #tpu.memory_space<vmem>>, %arg12: memref<80x128xf32, #tpu.memory_space<vmem>>, %arg13: memref<10112x128xf32, #tpu.memory_space<vmem_shared>>, %arg14: memref<!tpu.dma_semaphore, #tpu.memory_space<semaphore_mem>>, %arg15: memref<!tpu.dma_semaphore, #tpu.memory_space<semaphore_mem>>, %arg16: memref<!tpu.dma_semaphore, #tpu.memory_space<semaphore_mem>>, %arg17: memref<!tpu.dma_semaphore, #tpu.memory_space<semaphore_mem>>) attributes {dimension_semantics = [#tpu.dimension_semantics<core_parallel>, #tpu.dimension_semantics<subcore_parallel>], iteration_bounds = array<i64: 2, 16>, scalar_prefetch = 0 : i64, scratch_operands = 11 : i64, tpu.core_type = #tpu.core_type<sc_vector_subcore>, window_params = [{transform_indices = #map}, {transform_indices = #map1}, {transform_indices = #map1}, {transform_indices = #map}, {transform_indices = #map2}]} {
    %mul3A = arith.constant 2 : i32
    %mul3A_0 = arith.muli %arg1, %mul3A : i32
    %add3A = arith.addi %mul3A_0, %arg0 : i32
    %mul3A_1 = arith.constant 632 : i32
    %mul3A_2 = arith.muli %arg1, %mul3A_1 : i32
    "tpu.region"() ({
      %run_scoped3A = tpu.sem_alloc : memref<!tpu.dma_semaphore, #tpu.memory_space<semaphore_mem>>
      %dma_start3A_39 = arith.constant 0 : i32
      %dma_start3A_40 = tpu.memref_slice %arg13[%mul3A_2, %dma_start3A_39] : memref<10112x128xf32, #tpu.memory_space<vmem_shared>> -> memref<632x128xf32, #tpu.memory_space<vmem_shared>>
      tpu.enqueue_dma source(%arg5 : memref<632x128xf32, #tpu.memory_space<hbm>>) target(%dma_start3A_40 : memref<632x128xf32, #tpu.memory_space<vmem_shared>>) target_semaphore(%run_scoped3A : memref<!tpu.dma_semaphore, #tpu.memory_space<semaphore_mem>>)
      %dma_wait3A_41 = arith.constant 0 : i32
      %dma_wait3A_42 = tpu.memref_slice %arg13[%mul3A_2, %dma_wait3A_41] : memref<10112x128xf32, #tpu.memory_space<vmem_shared>> -> memref<632x128xf32, #tpu.memory_space<vmem_shared>>
      tpu.wait_dma2 semaphore(%run_scoped3A : memref<!tpu.dma_semaphore, #tpu.memory_space<semaphore_mem>>) src(%arg5 : memref<632x128xf32, #tpu.memory_space<hbm>>) dst(%dma_wait3A_42 : memref<632x128xf32, #tpu.memory_space<vmem_shared>>)
      tpu.yield
    }) : () -> ()
    %barrier3A = arith.constant 0 : index
    tpu.barrier barrier_id(%barrier3A)
    %mul3A_3 = arith.constant 10000 : i32
    %mul3A_4 = arith.muli %add3A, %mul3A_3 : i32
    %add3A_5 = arith.constant 0 : i32
    %add3A_6 = arith.addi %mul3A_4, %add3A_5 : i32
    %dma_start3A = tpu.memref_slice %arg3[%add3A_6] : memref<320000xi32, #tpu.memory_space<hbm>> -> memref<80xi32, #tpu.memory_space<hbm>>
    %dma_start3A_7 = tpu.memref_slice %arg3[%add3A_6] : memref<320000xi32, #tpu.memory_space<hbm>> -> memref<80xi32, #tpu.memory_space<hbm>>
    tpu.enqueue_dma source(%dma_start3A_7 : memref<80xi32, #tpu.memory_space<hbm>>) target(%arg7 : memref<80xi32, #tpu.memory_space<vmem>>) target_semaphore(%arg14 : memref<!tpu.dma_semaphore, #tpu.memory_space<semaphore_mem>>)
    %dma_start3A_8 = tpu.memref_slice %arg4[%add3A_6] : memref<320000xi32, #tpu.memory_space<hbm>> -> memref<80xi32, #tpu.memory_space<hbm>>
    %dma_start3A_9 = tpu.memref_slice %arg4[%add3A_6] : memref<320000xi32, #tpu.memory_space<hbm>> -> memref<80xi32, #tpu.memory_space<hbm>>
    tpu.enqueue_dma source(%dma_start3A_9 : memref<80xi32, #tpu.memory_space<hbm>>) target(%arg8 : memref<80xi32, #tpu.memory_space<vmem>>) target_semaphore(%arg14 : memref<!tpu.dma_semaphore, #tpu.memory_space<semaphore_mem>>)
    %add3A_10 = arith.constant 80 : i32
    %add3A_11 = arith.addi %mul3A_4, %add3A_10 : i32
    %dma_start3A_12 = tpu.memref_slice %arg3[%add3A_11] : memref<320000xi32, #tpu.memory_space<hbm>> -> memref<80xi32, #tpu.memory_space<hbm>>
    %dma_start3A_13 = tpu.memref_slice %arg3[%add3A_11] : memref<320000xi32, #tpu.memory_space<hbm>> -> memref<80xi32, #tpu.memory_space<hbm>>
    tpu.enqueue_dma source(%dma_start3A_13 : memref<80xi32, #tpu.memory_space<hbm>>) target(%arg9 : memref<80xi32, #tpu.memory_space<vmem>>) target_semaphore(%arg15 : memref<!tpu.dma_semaphore, #tpu.memory_space<semaphore_mem>>)
    %dma_start3A_14 = tpu.memref_slice %arg4[%add3A_11] : memref<320000xi32, #tpu.memory_space<hbm>> -> memref<80xi32, #tpu.memory_space<hbm>>
    %dma_start3A_15 = tpu.memref_slice %arg4[%add3A_11] : memref<320000xi32, #tpu.memory_space<hbm>> -> memref<80xi32, #tpu.memory_space<hbm>>
    tpu.enqueue_dma source(%dma_start3A_15 : memref<80xi32, #tpu.memory_space<hbm>>) target(%arg10 : memref<80xi32, #tpu.memory_space<vmem>>) target_semaphore(%arg15 : memref<!tpu.dma_semaphore, #tpu.memory_space<semaphore_mem>>)
    %dma_wait3A = arith.constant 0 : i32
    %dma_wait3A_16 = tpu.memref_slice %arg3[%dma_wait3A] : memref<320000xi32, #tpu.memory_space<hbm>> -> memref<80xi32, #tpu.memory_space<hbm>>
    %dma_wait3A_17 = arith.constant 0 : i32
    %dma_wait3A_18 = tpu.memref_slice %arg3[%dma_wait3A_17] : memref<320000xi32, #tpu.memory_space<hbm>> -> memref<80xi32, #tpu.memory_space<hbm>>
    tpu.wait_dma2 semaphore(%arg14 : memref<!tpu.dma_semaphore, #tpu.memory_space<semaphore_mem>>) src(%dma_wait3A_18 : memref<80xi32, #tpu.memory_space<hbm>>) dst(%arg7 : memref<80xi32, #tpu.memory_space<vmem>>)
    %dma_wait3A_19 = arith.constant 0 : i32
    %dma_wait3A_20 = tpu.memref_slice %arg4[%dma_wait3A_19] : memref<320000xi32, #tpu.memory_space<hbm>> -> memref<80xi32, #tpu.memory_space<hbm>>
    %dma_wait3A_21 = arith.constant 0 : i32
    %dma_wait3A_22 = tpu.memref_slice %arg4[%dma_wait3A_21] : memref<320000xi32, #tpu.memory_space<hbm>> -> memref<80xi32, #tpu.memory_space<hbm>>
    tpu.wait_dma2 semaphore(%arg14 : memref<!tpu.dma_semaphore, #tpu.memory_space<semaphore_mem>>) src(%dma_wait3A_22 : memref<80xi32, #tpu.memory_space<hbm>>) dst(%arg8 : memref<80xi32, #tpu.memory_space<vmem>>)
    %dma_start3A_23 = arith.constant 0 : i32
    %dma_start3A_24 = arith.constant 0 : i32
    %dma_start3A_25 = tpu.memref_slice %arg2[%dma_start3A_23, %dma_start3A_24] : memref<10000x128xf32, #tpu.memory_space<hbm>> -> memref<10000x128xf32, #tpu.memory_space<hbm>>
    tpu.enqueue_indirect_dma source(%dma_start3A_25 : memref<10000x128xf32, #tpu.memory_space<hbm>>) target(%arg11 : memref<80x128xf32, #tpu.memory_space<vmem>>) offsets(%arg7 : memref<80xi32, #tpu.memory_space<vmem>>) semaphore(%arg16 : memref<!tpu.dma_semaphore, #tpu.memory_space<semaphore_mem>>)
    %scan3A = arith.constant 0 : i32
    %scan3A_26 = arith.constant 0 : i32
    %scan3A_27 = arith.constant 62 : i32
    %scan3A_28 = arith.addi %scan3A_26, %scan3A_27 : i32
    %scan3A_29 = arith.constant 1 : i32
    scf.for %scan3A_39 = %scan3A_26 to %scan3A_28 step %scan3A_29  : i32 {
      %mul3A_40 = arith.constant 2 : i32
      %mul3A_41 = arith.muli %mul3A_40, %scan3A_39 : i32
      %dma_wait3A_42 = arith.constant 0 : i32
      %dma_wait3A_43 = arith.constant 0 : i32
      %dma_wait3A_44 = tpu.memref_slice %arg2[%dma_wait3A_42, %dma_wait3A_43] : memref<10000x128xf32, #tpu.memory_space<hbm>> -> memref<10000x128xf32, #tpu.memory_space<hbm>>
      tpu.wait_indirect_dma semaphore(%arg16 : memref<!tpu.dma_semaphore, #tpu.memory_space<semaphore_mem>>) src(%dma_wait3A_44 : memref<10000x128xf32, #tpu.memory_space<hbm>>) dst(%arg11 : memref<80x128xf32, #tpu.memory_space<vmem>>)
      %dma_wait3A_45 = arith.constant 0 : i32
      %dma_wait3A_46 = tpu.memref_slice %arg3[%dma_wait3A_45] : memref<320000xi32, #tpu.memory_space<hbm>> -> memref<80xi32, #tpu.memory_space<hbm>>
      %dma_wait3A_47 = arith.constant 0 : i32
      %dma_wait3A_48 = tpu.memref_slice %arg3[%dma_wait3A_47] : memref<320000xi32, #tpu.memory_space<hbm>> -> memref<80xi32, #tpu.memory_space<hbm>>
      tpu.wait_dma2 semaphore(%arg15 : memref<!tpu.dma_semaphore, #tpu.memory_space<semaphore_mem>>) src(%dma_wait3A_48 : memref<80xi32, #tpu.memory_space<hbm>>) dst(%arg9 : memref<80xi32, #tpu.memory_space<vmem>>)
      %dma_wait3A_49 = arith.constant 0 : i32
      %dma_wait3A_50 = tpu.memref_slice %arg4[%dma_wait3A_49] : memref<320000xi32, #tpu.memory_space<hbm>> -> memref<80xi32, #tpu.memory_space<hbm>>
      %dma_wait3A_51 = arith.constant 0 : i32
      %dma_wait3A_52 = tpu.memref_slice %arg4[%dma_wait3A_51] : memref<320000xi32, #tpu.memory_space<hbm>> -> memref<80xi32, #tpu.memory_space<hbm>>
      tpu.wait_dma2 semaphore(%arg15 : memref<!tpu.dma_semaphore, #tpu.memory_space<semaphore_mem>>) src(%dma_wait3A_52 : memref<80xi32, #tpu.memory_space<hbm>>) dst(%arg10 : memref<80xi32, #tpu.memory_space<vmem>>)
      %dma_start3A_53 = arith.constant 0 : i32
      %dma_start3A_54 = arith.constant 0 : i32
      %dma_start3A_55 = tpu.memref_slice %arg2[%dma_start3A_53, %dma_start3A_54] : memref<10000x128xf32, #tpu.memory_space<hbm>> -> memref<10000x128xf32, #tpu.memory_space<hbm>>
      tpu.enqueue_indirect_dma source(%dma_start3A_55 : memref<10000x128xf32, #tpu.memory_space<hbm>>) target(%arg12 : memref<80x128xf32, #tpu.memory_space<vmem>>) offsets(%arg9 : memref<80xi32, #tpu.memory_space<vmem>>) semaphore(%arg17 : memref<!tpu.dma_semaphore, #tpu.memory_space<semaphore_mem>>)
      "tpu.region"() ({
        %run_scoped3A = tpu.sem_alloc : memref<!tpu.dma_semaphore, #tpu.memory_space<semaphore_mem>>
        %dma_start3A_83 = arith.constant 0 : i32
        %dma_start3A_84 = arith.constant 0 : i32
        %dma_start3A_85 = tpu.memref_slice %arg13[%dma_start3A_83, %dma_start3A_84] : memref<10112x128xf32, #tpu.memory_space<vmem_shared>> -> memref<10112x128xf32, #tpu.memory_space<vmem_shared>>
        tpu.enqueue_indirect_dma source(%arg11 : memref<80x128xf32, #tpu.memory_space<vmem>>) target(%dma_start3A_85 : memref<10112x128xf32, #tpu.memory_space<vmem_shared>>) offsets(%arg8 : memref<80xi32, #tpu.memory_space<vmem>>) semaphore(%run_scoped3A : memref<!tpu.dma_semaphore, #tpu.memory_space<semaphore_mem>>) {add = true}
        %dma_wait3A_86 = arith.constant 0 : i32
        %dma_wait3A_87 = arith.constant 0 : i32
        %dma_wait3A_88 = tpu.memref_slice %arg13[%dma_wait3A_86, %dma_wait3A_87] : memref<10112x128xf32, #tpu.memory_space<vmem_shared>> -> memref<10112x128xf32, #tpu.memory_space<vmem_shared>>
        tpu.wait_indirect_dma semaphore(%run_scoped3A : memref<!tpu.dma_semaphore, #tpu.memory_space<semaphore_mem>>) src(%arg11 : memref<80x128xf32, #tpu.memory_space<vmem>>) dst(%dma_wait3A_88 : memref<10112x128xf32, #tpu.memory_space<vmem_shared>>)
        tpu.yield
      }) : () -> ()
      %add3A_56 = arith.constant 2 : i32
      %add3A_57 = arith.addi %mul3A_41, %add3A_56 : i32
      %lt3A = arith.constant 125 : i32
      %lt3A_58 = arith.cmpi slt, %add3A_57, %lt3A : i32
      %convert_element_type3A = arith.extui %lt3A_58 : i1 to i32
      %cond3A = arith.constant 0 : i32
      %cond3A_59 = arith.cmpi ne, %convert_element_type3A, %cond3A : i32
      scf.if %cond3A_59 {
        %add3A_83 = arith.constant 2 : i32
        %add3A_84 = arith.addi %mul3A_41, %add3A_83 : i32
        %mul3A_85 = arith.constant 80 : i32
        %mul3A_86 = arith.muli %add3A_84, %mul3A_85 : i32
        %add3A_87 = arith.addi %mul3A_4, %mul3A_86 : i32
        %dma_start3A_88 = tpu.memref_slice %arg3[%add3A_87] : memref<320000xi32, #tpu.memory_space<hbm>> -> memref<80xi32, #tpu.memory_space<hbm>>
        %dma_start3A_89 = tpu.memref_slice %arg3[%add3A_87] : memref<320000xi32, #tpu.memory_space<hbm>> -> memref<80xi32, #tpu.memory_space<hbm>>
        tpu.enqueue_dma source(%dma_start3A_89 : memref<80xi32, #tpu.memory_space<hbm>>) target(%arg7 : memref<80xi32, #tpu.memory_space<vmem>>) target_semaphore(%arg14 : memref<!tpu.dma_semaphore, #tpu.memory_space<semaphore_mem>>)
        %dma_start3A_90 = tpu.memref_slice %arg4[%add3A_87] : memref<320000xi32, #tpu.memory_space<hbm>> -> memref<80xi32, #tpu.memory_space<hbm>>
        %dma_start3A_91 = tpu.memref_slice %arg4[%add3A_87] : memref<320000xi32, #tpu.memory_space<hbm>> -> memref<80xi32, #tpu.memory_space<hbm>>
        tpu.enqueue_dma source(%dma_start3A_91 : memref<80xi32, #tpu.memory_space<hbm>>) target(%arg8 : memref<80xi32, #tpu.memory_space<vmem>>) target_semaphore(%arg14 : memref<!tpu.dma_semaphore, #tpu.memory_space<semaphore_mem>>)
      } else {
      }
      %add3A_60 = arith.constant 1 : i32
      %add3A_61 = arith.addi %mul3A_41, %add3A_60 : i32
      %dma_wait3A_62 = arith.constant 0 : i32
      %dma_wait3A_63 = arith.constant 0 : i32
      %dma_wait3A_64 = tpu.memref_slice %arg2[%dma_wait3A_62, %dma_wait3A_63] : memref<10000x128xf32, #tpu.memory_space<hbm>> -> memref<10000x128xf32, #tpu.memory_space<hbm>>
      tpu.wait_indirect_dma semaphore(%arg17 : memref<!tpu.dma_semaphore, #tpu.memory_space<semaphore_mem>>) src(%dma_wait3A_64 : memref<10000x128xf32, #tpu.memory_space<hbm>>) dst(%arg12 : memref<80x128xf32, #tpu.memory_space<vmem>>)
      %dma_wait3A_65 = arith.constant 0 : i32
      %dma_wait3A_66 = tpu.memref_slice %arg3[%dma_wait3A_65] : memref<320000xi32, #tpu.memory_space<hbm>> -> memref<80xi32, #tpu.memory_space<hbm>>
      %dma_wait3A_67 = arith.constant 0 : i32
      %dma_wait3A_68 = tpu.memref_slice %arg3[%dma_wait3A_67] : memref<320000xi32, #tpu.memory_space<hbm>> -> memref<80xi32, #tpu.memory_space<hbm>>
      tpu.wait_dma2 semaphore(%arg14 : memref<!tpu.dma_semaphore, #tpu.memory_space<semaphore_mem>>) src(%dma_wait3A_68 : memref<80xi32, #tpu.memory_space<hbm>>) dst(%arg7 : memref<80xi32, #tpu.memory_space<vmem>>)
      %dma_wait3A_69 = arith.constant 0 : i32
      %dma_wait3A_70 = tpu.memref_slice %arg4[%dma_wait3A_69] : memref<320000xi32, #tpu.memory_space<hbm>> -> memref<80xi32, #tpu.memory_space<hbm>>
      %dma_wait3A_71 = arith.constant 0 : i32
      %dma_wait3A_72 = tpu.memref_slice %arg4[%dma_wait3A_71] : memref<320000xi32, #tpu.memory_space<hbm>> -> memref<80xi32, #tpu.memory_space<hbm>>
      tpu.wait_dma2 semaphore(%arg14 : memref<!tpu.dma_semaphore, #tpu.memory_space<semaphore_mem>>) src(%dma_wait3A_72 : memref<80xi32, #tpu.memory_space<hbm>>) dst(%arg8 : memref<80xi32, #tpu.memory_space<vmem>>)
      %dma_start3A_73 = arith.constant 0 : i32
      %dma_start3A_74 = arith.constant 0 : i32
      %dma_start3A_75 = tpu.memref_slice %arg2[%dma_start3A_73, %dma_start3A_74] : memref<10000x128xf32, #tpu.memory_space<hbm>> -> memref<10000x128xf32, #tpu.memory_space<hbm>>
      tpu.enqueue_indirect_dma source(%dma_start3A_75 : memref<10000x128xf32, #tpu.memory_space<hbm>>) target(%arg11 : memref<80x128xf32, #tpu.memory_space<vmem>>) offsets(%arg7 : memref<80xi32, #tpu.memory_space<vmem>>) semaphore(%arg16 : memref<!tpu.dma_semaphore, #tpu.memory_space<semaphore_mem>>)
      "tpu.region"() ({
        %run_scoped3A = tpu.sem_alloc : memref<!tpu.dma_semaphore, #tpu.memory_space<semaphore_mem>>
        %dma_start3A_83 = arith.constant 0 : i32
        %dma_start3A_84 = arith.constant 0 : i32
        %dma_start3A_85 = tpu.memref_slice %arg13[%dma_start3A_83, %dma_start3A_84] : memref<10112x128xf32, #tpu.memory_space<vmem_shared>> -> memref<10112x128xf32, #tpu.memory_space<vmem_shared>>
        tpu.enqueue_indirect_dma source(%arg12 : memref<80x128xf32, #tpu.memory_space<vmem>>) target(%dma_start3A_85 : memref<10112x128xf32, #tpu.memory_space<vmem_shared>>) offsets(%arg10 : memref<80xi32, #tpu.memory_space<vmem>>) semaphore(%run_scoped3A : memref<!tpu.dma_semaphore, #tpu.memory_space<semaphore_mem>>) {add = true}
        %dma_wait3A_86 = arith.constant 0 : i32
        %dma_wait3A_87 = arith.constant 0 : i32
        %dma_wait3A_88 = tpu.memref_slice %arg13[%dma_wait3A_86, %dma_wait3A_87] : memref<10112x128xf32, #tpu.memory_space<vmem_shared>> -> memref<10112x128xf32, #tpu.memory_space<vmem_shared>>
        tpu.wait_indirect_dma semaphore(%run_scoped3A : memref<!tpu.dma_semaphore, #tpu.memory_space<semaphore_mem>>) src(%arg12 : memref<80x128xf32, #tpu.memory_space<vmem>>) dst(%dma_wait3A_88 : memref<10112x128xf32, #tpu.memory_space<vmem_shared>>)
        tpu.yield
      }) : () -> ()
      %add3A_76 = arith.constant 2 : i32
      %add3A_77 = arith.addi %add3A_61, %add3A_76 : i32
      %lt3A_78 = arith.constant 125 : i32
      %lt3A_79 = arith.cmpi slt, %add3A_77, %lt3A_78 : i32
      %convert_element_type3A_80 = arith.extui %lt3A_79 : i1 to i32
      %cond3A_81 = arith.constant 0 : i32
      %cond3A_82 = arith.cmpi ne, %convert_element_type3A_80, %cond3A_81 : i32
      scf.if %cond3A_82 {
        %add3A_83 = arith.constant 2 : i32
        %add3A_84 = arith.addi %add3A_61, %add3A_83 : i32
        %mul3A_85 = arith.constant 80 : i32
        %mul3A_86 = arith.muli %add3A_84, %mul3A_85 : i32
        %add3A_87 = arith.addi %mul3A_4, %mul3A_86 : i32
        %dma_start3A_88 = tpu.memref_slice %arg3[%add3A_87] : memref<320000xi32, #tpu.memory_space<hbm>> -> memref<80xi32, #tpu.memory_space<hbm>>
        %dma_start3A_89 = tpu.memref_slice %arg3[%add3A_87] : memref<320000xi32, #tpu.memory_space<hbm>> -> memref<80xi32, #tpu.memory_space<hbm>>
        tpu.enqueue_dma source(%dma_start3A_89 : memref<80xi32, #tpu.memory_space<hbm>>) target(%arg9 : memref<80xi32, #tpu.memory_space<vmem>>) target_semaphore(%arg15 : memref<!tpu.dma_semaphore, #tpu.memory_space<semaphore_mem>>)
        %dma_start3A_90 = tpu.memref_slice %arg4[%add3A_87] : memref<320000xi32, #tpu.memory_space<hbm>> -> memref<80xi32, #tpu.memory_space<hbm>>
        %dma_start3A_91 = tpu.memref_slice %arg4[%add3A_87] : memref<320000xi32, #tpu.memory_space<hbm>> -> memref<80xi32, #tpu.memory_space<hbm>>
        tpu.enqueue_dma source(%dma_start3A_91 : memref<80xi32, #tpu.memory_space<hbm>>) target(%arg10 : memref<80xi32, #tpu.memory_space<vmem>>) target_semaphore(%arg15 : memref<!tpu.dma_semaphore, #tpu.memory_space<semaphore_mem>>)
      } else {
      }
    }
    %scan3A_30 = arith.constant 62 : i32
    %dma_wait3A_31 = arith.constant 0 : i32
    %dma_wait3A_32 = arith.constant 0 : i32
    %dma_wait3A_33 = tpu.memref_slice %arg2[%dma_wait3A_31, %dma_wait3A_32] : memref<10000x128xf32, #tpu.memory_space<hbm>> -> memref<10000x128xf32, #tpu.memory_space<hbm>>
    tpu.wait_indirect_dma semaphore(%arg16 : memref<!tpu.dma_semaphore, #tpu.memory_space<semaphore_mem>>) src(%dma_wait3A_33 : memref<10000x128xf32, #tpu.memory_space<hbm>>) dst(%arg11 : memref<80x128xf32, #tpu.memory_space<vmem>>)
    "tpu.region"() ({
      %run_scoped3A = tpu.sem_alloc : memref<!tpu.dma_semaphore, #tpu.memory_space<semaphore_mem>>
      %dma_start3A_39 = arith.constant 0 : i32
      %dma_start3A_40 = arith.constant 0 : i32
      %dma_start3A_41 = tpu.memref_slice %arg13[%dma_start3A_39, %dma_start3A_40] : memref<10112x128xf32, #tpu.memory_space<vmem_shared>> -> memref<10112x128xf32, #tpu.memory_space<vmem_shared>>
      tpu.enqueue_indirect_dma source(%arg11 : memref<80x128xf32, #tpu.memory_space<vmem>>) target(%dma_start3A_41 : memref<10112x128xf32, #tpu.memory_space<vmem_shared>>) offsets(%arg8 : memref<80xi32, #tpu.memory_space<vmem>>) semaphore(%run_scoped3A : memref<!tpu.dma_semaphore, #tpu.memory_space<semaphore_mem>>) {add = true}
      %dma_wait3A_42 = arith.constant 0 : i32
      %dma_wait3A_43 = arith.constant 0 : i32
      %dma_wait3A_44 = tpu.memref_slice %arg13[%dma_wait3A_42, %dma_wait3A_43] : memref<10112x128xf32, #tpu.memory_space<vmem_shared>> -> memref<10112x128xf32, #tpu.memory_space<vmem_shared>>
      tpu.wait_indirect_dma semaphore(%run_scoped3A : memref<!tpu.dma_semaphore, #tpu.memory_space<semaphore_mem>>) src(%arg11 : memref<80x128xf32, #tpu.memory_space<vmem>>) dst(%dma_wait3A_44 : memref<10112x128xf32, #tpu.memory_space<vmem_shared>>)
      tpu.yield
    }) : () -> ()
    %barrier3A_34 = arith.constant 0 : index
    tpu.barrier barrier_id(%barrier3A_34)
    %mul3A_35 = arith.constant 632 : i32
    %mul3A_36 = arith.muli %arg1, %mul3A_35 : i32
    %mul3A_37 = arith.constant 632 : i32
    %mul3A_38 = arith.muli %arg1, %mul3A_37 : i32
    "tpu.region"() ({
      %run_scoped3A = tpu.sem_alloc : memref<!tpu.dma_semaphore, #tpu.memory_space<semaphore_mem>>
      %dma_start3A_39 = arith.constant 0 : i32
      %dma_start3A_40 = tpu.memref_slice %arg6[%arg0, %mul3A_38, %dma_start3A_39] : memref<2x10112x128xf32, #tpu.memory_space<hbm>> -> memref<1x632x128xf32, #tpu.memory_space<hbm>>
      %dma_start3A_41 = tpu.memref_squeeze %dma_start3A_40 : memref<1x632x128xf32, #tpu.memory_space<hbm>> -> memref<632x128xf32, #tpu.memory_space<hbm>>
      %dma_start3A_42 = arith.constant 0 : i32
      %dma_start3A_43 = tpu.memref_slice %arg13[%mul3A_36, %dma_start3A_42] : memref<10112x128xf32, #tpu.memory_space<vmem_shared>> -> memref<632x128xf32, #tpu.memory_space<vmem_shared>>
      tpu.enqueue_dma source(%dma_start3A_43 : memref<632x128xf32, #tpu.memory_space<vmem_shared>>) target(%dma_start3A_41 : memref<632x128xf32, #tpu.memory_space<hbm>>) target_semaphore(%run_scoped3A : memref<!tpu.dma_semaphore, #tpu.memory_space<semaphore_mem>>)
      %dma_wait3A_44 = arith.constant 0 : i32
      %dma_wait3A_45 = tpu.memref_slice %arg6[%arg0, %mul3A_38, %dma_wait3A_44] : memref<2x10112x128xf32, #tpu.memory_space<hbm>> -> memref<1x632x128xf32, #tpu.memory_space<hbm>>
      %dma_wait3A_46 = tpu.memref_squeeze %dma_wait3A_45 : memref<1x632x128xf32, #tpu.memory_space<hbm>> -> memref<632x128xf32, #tpu.memory_space<hbm>>
      %dma_wait3A_47 = arith.constant 0 : i32
      %dma_wait3A_48 = tpu.memref_slice %arg13[%mul3A_36, %dma_wait3A_47] : memref<10112x128xf32, #tpu.memory_space<vmem_shared>> -> memref<632x128xf32, #tpu.memory_space<vmem_shared>>
      tpu.wait_dma2 semaphore(%run_scoped3A : memref<!tpu.dma_semaphore, #tpu.memory_space<semaphore_mem>>) src(%dma_wait3A_48 : memref<632x128xf32, #tpu.memory_space<vmem_shared>>) dst(%dma_wait3A_46 : memref<632x128xf32, #tpu.memory_space<hbm>>)
      tpu.yield
    }) : () -> ()
    return
  }
}

#map = affine_map<(d0, d1) -> (0, 0)>
#map1 = affine_map<(d0, d1) -> (0)>
#map2 = affine_map<(d0, d1) -> (0, 0, 0)>
module attributes {stable_mosaic.version = 14 : i64} {
  func.func @_agg_body(%arg0: i32, %arg1: i32, %arg2: memref<10000x128xf32, #tpu.memory_space<hbm>>, %arg3: memref<320000xi32, #tpu.memory_space<hbm>>, %arg4: memref<320000xi32, #tpu.memory_space<hbm>>, %arg5: memref<632x128xf32, #tpu.memory_space<hbm>>, %arg6: memref<2x10112x128xf32, #tpu.memory_space<hbm>>, %arg7: memref<80xi32, #tpu.memory_space<vmem>>, %arg8: memref<80xi32, #tpu.memory_space<vmem>>, %arg9: memref<80xi32, #tpu.memory_space<vmem>>, %arg10: memref<80xi32, #tpu.memory_space<vmem>>, %arg11: memref<80x128xf32, #tpu.memory_space<vmem>>, %arg12: memref<80x128xf32, #tpu.memory_space<vmem>>, %arg13: memref<10112x128xf32, #tpu.memory_space<vmem_shared>>, %arg14: memref<!tpu.dma_semaphore, #tpu.memory_space<semaphore_mem>>, %arg15: memref<!tpu.dma_semaphore, #tpu.memory_space<semaphore_mem>>, %arg16: memref<!tpu.dma_semaphore, #tpu.memory_space<semaphore_mem>>, %arg17: memref<!tpu.dma_semaphore, #tpu.memory_space<semaphore_mem>>) attributes {dimension_semantics = [#tpu.dimension_semantics<core_parallel>, #tpu.dimension_semantics<subcore_parallel>], iteration_bounds = array<i64: 2, 16>, scalar_prefetch = 0 : i64, scratch_operands = 11 : i64, tpu.core_type = #tpu.core_type<sc_vector_subcore>, window_params = [{transform_indices = #map}, {transform_indices = #map1}, {transform_indices = #map1}, {transform_indices = #map}, {transform_indices = #map2}]} {
    %mul3A = arith.constant 2 : i32
    %mul3A_0 = arith.muli %arg1, %mul3A : i32
    %add3A = arith.addi %mul3A_0, %arg0 : i32
    %mul3A_1 = arith.constant 632 : i32
    %mul3A_2 = arith.muli %arg1, %mul3A_1 : i32
    "tpu.region"() ({
      %run_scoped3A = tpu.sem_alloc : memref<!tpu.dma_semaphore, #tpu.memory_space<semaphore_mem>>
      %dma_start3A_39 = arith.constant 0 : i32
      %dma_start3A_40 = tpu.memref_slice %arg13[%mul3A_2, %dma_start3A_39] : memref<10112x128xf32, #tpu.memory_space<vmem_shared>> -> memref<632x128xf32, #tpu.memory_space<vmem_shared>>
      tpu.enqueue_dma source(%arg5 : memref<632x128xf32, #tpu.memory_space<hbm>>) target(%dma_start3A_40 : memref<632x128xf32, #tpu.memory_space<vmem_shared>>) target_semaphore(%run_scoped3A : memref<!tpu.dma_semaphore, #tpu.memory_space<semaphore_mem>>)
      %dma_wait3A_41 = arith.constant 0 : i32
      %dma_wait3A_42 = tpu.memref_slice %arg13[%mul3A_2, %dma_wait3A_41] : memref<10112x128xf32, #tpu.memory_space<vmem_shared>> -> memref<632x128xf32, #tpu.memory_space<vmem_shared>>
      tpu.wait_dma2 semaphore(%run_scoped3A : memref<!tpu.dma_semaphore, #tpu.memory_space<semaphore_mem>>) src(%arg5 : memref<632x128xf32, #tpu.memory_space<hbm>>) dst(%dma_wait3A_42 : memref<632x128xf32, #tpu.memory_space<vmem_shared>>)
      tpu.yield
    }) : () -> ()
    %barrier3A = arith.constant 0 : index
    tpu.barrier barrier_id(%barrier3A)
    %mul3A_3 = arith.constant 10000 : i32
    %mul3A_4 = arith.muli %add3A, %mul3A_3 : i32
    %add3A_5 = arith.constant 0 : i32
    %add3A_6 = arith.addi %mul3A_4, %add3A_5 : i32
    %dma_start3A = tpu.memref_slice %arg3[%add3A_6] : memref<320000xi32, #tpu.memory_space<hbm>> -> memref<80xi32, #tpu.memory_space<hbm>>
    %dma_start3A_7 = tpu.memref_slice %arg3[%add3A_6] : memref<320000xi32, #tpu.memory_space<hbm>> -> memref<80xi32, #tpu.memory_space<hbm>>
    tpu.enqueue_dma source(%dma_start3A_7 : memref<80xi32, #tpu.memory_space<hbm>>) target(%arg7 : memref<80xi32, #tpu.memory_space<vmem>>) target_semaphore(%arg14 : memref<!tpu.dma_semaphore, #tpu.memory_space<semaphore_mem>>)
    %dma_start3A_8 = tpu.memref_slice %arg4[%add3A_6] : memref<320000xi32, #tpu.memory_space<hbm>> -> memref<80xi32, #tpu.memory_space<hbm>>
    %dma_start3A_9 = tpu.memref_slice %arg4[%add3A_6] : memref<320000xi32, #tpu.memory_space<hbm>> -> memref<80xi32, #tpu.memory_space<hbm>>
    tpu.enqueue_dma source(%dma_start3A_9 : memref<80xi32, #tpu.memory_space<hbm>>) target(%arg8 : memref<80xi32, #tpu.memory_space<vmem>>) target_semaphore(%arg14 : memref<!tpu.dma_semaphore, #tpu.memory_space<semaphore_mem>>)
    %add3A_10 = arith.constant 80 : i32
    %add3A_11 = arith.addi %mul3A_4, %add3A_10 : i32
    %dma_start3A_12 = tpu.memref_slice %arg3[%add3A_11] : memref<320000xi32, #tpu.memory_space<hbm>> -> memref<80xi32, #tpu.memory_space<hbm>>
    %dma_start3A_13 = tpu.memref_slice %arg3[%add3A_11] : memref<320000xi32, #tpu.memory_space<hbm>> -> memref<80xi32, #tpu.memory_space<hbm>>
    tpu.enqueue_dma source(%dma_start3A_13 : memref<80xi32, #tpu.memory_space<hbm>>) target(%arg9 : memref<80xi32, #tpu.memory_space<vmem>>) target_semaphore(%arg15 : memref<!tpu.dma_semaphore, #tpu.memory_space<semaphore_mem>>)
    %dma_start3A_14 = tpu.memref_slice %arg4[%add3A_11] : memref<320000xi32, #tpu.memory_space<hbm>> -> memref<80xi32, #tpu.memory_space<hbm>>
    %dma_start3A_15 = tpu.memref_slice %arg4[%add3A_11] : memref<320000xi32, #tpu.memory_space<hbm>> -> memref<80xi32, #tpu.memory_space<hbm>>
    tpu.enqueue_dma source(%dma_start3A_15 : memref<80xi32, #tpu.memory_space<hbm>>) target(%arg10 : memref<80xi32, #tpu.memory_space<vmem>>) target_semaphore(%arg15 : memref<!tpu.dma_semaphore, #tpu.memory_space<semaphore_mem>>)
    %dma_wait3A = arith.constant 0 : i32
    %dma_wait3A_16 = tpu.memref_slice %arg3[%dma_wait3A] : memref<320000xi32, #tpu.memory_space<hbm>> -> memref<80xi32, #tpu.memory_space<hbm>>
    %dma_wait3A_17 = arith.constant 0 : i32
    %dma_wait3A_18 = tpu.memref_slice %arg3[%dma_wait3A_17] : memref<320000xi32, #tpu.memory_space<hbm>> -> memref<80xi32, #tpu.memory_space<hbm>>
    tpu.wait_dma2 semaphore(%arg14 : memref<!tpu.dma_semaphore, #tpu.memory_space<semaphore_mem>>) src(%dma_wait3A_18 : memref<80xi32, #tpu.memory_space<hbm>>) dst(%arg7 : memref<80xi32, #tpu.memory_space<vmem>>)
    %dma_wait3A_19 = arith.constant 0 : i32
    %dma_wait3A_20 = tpu.memref_slice %arg4[%dma_wait3A_19] : memref<320000xi32, #tpu.memory_space<hbm>> -> memref<80xi32, #tpu.memory_space<hbm>>
    %dma_wait3A_21 = arith.constant 0 : i32
    %dma_wait3A_22 = tpu.memref_slice %arg4[%dma_wait3A_21] : memref<320000xi32, #tpu.memory_space<hbm>> -> memref<80xi32, #tpu.memory_space<hbm>>
    tpu.wait_dma2 semaphore(%arg14 : memref<!tpu.dma_semaphore, #tpu.memory_space<semaphore_mem>>) src(%dma_wait3A_22 : memref<80xi32, #tpu.memory_space<hbm>>) dst(%arg8 : memref<80xi32, #tpu.memory_space<vmem>>)
    %dma_start3A_23 = arith.constant 0 : i32
    %dma_start3A_24 = arith.constant 0 : i32
    %dma_start3A_25 = tpu.memref_slice %arg2[%dma_start3A_23, %dma_start3A_24] : memref<10000x128xf32, #tpu.memory_space<hbm>> -> memref<10000x128xf32, #tpu.memory_space<hbm>>
    tpu.enqueue_indirect_dma source(%dma_start3A_25 : memref<10000x128xf32, #tpu.memory_space<hbm>>) target(%arg11 : memref<80x128xf32, #tpu.memory_space<vmem>>) offsets(%arg7 : memref<80xi32, #tpu.memory_space<vmem>>) semaphore(%arg16 : memref<!tpu.dma_semaphore, #tpu.memory_space<semaphore_mem>>)
    %scan3A = arith.constant 0 : i32
    %scan3A_26 = arith.constant 0 : i32
    %scan3A_27 = arith.constant 62 : i32
    %scan3A_28 = arith.addi %scan3A_26, %scan3A_27 : i32
    %scan3A_29 = arith.constant 1 : i32
    scf.for %scan3A_39 = %scan3A_26 to %scan3A_28 step %scan3A_29  : i32 {
      %mul3A_40 = arith.constant 2 : i32
      %mul3A_41 = arith.muli %mul3A_40, %scan3A_39 : i32
      %dma_wait3A_42 = arith.constant 0 : i32
      %dma_wait3A_43 = arith.constant 0 : i32
      %dma_wait3A_44 = tpu.memref_slice %arg2[%dma_wait3A_42, %dma_wait3A_43] : memref<10000x128xf32, #tpu.memory_space<hbm>> -> memref<10000x128xf32, #tpu.memory_space<hbm>>
      tpu.wait_indirect_dma semaphore(%arg16 : memref<!tpu.dma_semaphore, #tpu.memory_space<semaphore_mem>>) src(%dma_wait3A_44 : memref<10000x128xf32, #tpu.memory_space<hbm>>) dst(%arg11 : memref<80x128xf32, #tpu.memory_space<vmem>>)
      %dma_wait3A_45 = arith.constant 0 : i32
      %dma_wait3A_46 = tpu.memref_slice %arg3[%dma_wait3A_45] : memref<320000xi32, #tpu.memory_space<hbm>> -> memref<80xi32, #tpu.memory_space<hbm>>
      %dma_wait3A_47 = arith.constant 0 : i32
      %dma_wait3A_48 = tpu.memref_slice %arg3[%dma_wait3A_47] : memref<320000xi32, #tpu.memory_space<hbm>> -> memref<80xi32, #tpu.memory_space<hbm>>
      tpu.wait_dma2 semaphore(%arg15 : memref<!tpu.dma_semaphore, #tpu.memory_space<semaphore_mem>>) src(%dma_wait3A_48 : memref<80xi32, #tpu.memory_space<hbm>>) dst(%arg9 : memref<80xi32, #tpu.memory_space<vmem>>)
      %dma_wait3A_49 = arith.constant 0 : i32
      %dma_wait3A_50 = tpu.memref_slice %arg4[%dma_wait3A_49] : memref<320000xi32, #tpu.memory_space<hbm>> -> memref<80xi32, #tpu.memory_space<hbm>>
      %dma_wait3A_51 = arith.constant 0 : i32
      %dma_wait3A_52 = tpu.memref_slice %arg4[%dma_wait3A_51] : memref<320000xi32, #tpu.memory_space<hbm>> -> memref<80xi32, #tpu.memory_space<hbm>>
      tpu.wait_dma2 semaphore(%arg15 : memref<!tpu.dma_semaphore, #tpu.memory_space<semaphore_mem>>) src(%dma_wait3A_52 : memref<80xi32, #tpu.memory_space<hbm>>) dst(%arg10 : memref<80xi32, #tpu.memory_space<vmem>>)
      %dma_start3A_53 = arith.constant 0 : i32
      %dma_start3A_54 = arith.constant 0 : i32
      %dma_start3A_55 = tpu.memref_slice %arg2[%dma_start3A_53, %dma_start3A_54] : memref<10000x128xf32, #tpu.memory_space<hbm>> -> memref<10000x128xf32, #tpu.memory_space<hbm>>
      tpu.enqueue_indirect_dma source(%dma_start3A_55 : memref<10000x128xf32, #tpu.memory_space<hbm>>) target(%arg12 : memref<80x128xf32, #tpu.memory_space<vmem>>) offsets(%arg9 : memref<80xi32, #tpu.memory_space<vmem>>) semaphore(%arg17 : memref<!tpu.dma_semaphore, #tpu.memory_space<semaphore_mem>>)
      "tpu.region"() ({
        %run_scoped3A = tpu.sem_alloc : memref<!tpu.dma_semaphore, #tpu.memory_space<semaphore_mem>>
        %dma_start3A_83 = arith.constant 0 : i32
        %dma_start3A_84 = arith.constant 0 : i32
        %dma_start3A_85 = tpu.memref_slice %arg13[%dma_start3A_83, %dma_start3A_84] : memref<10112x128xf32, #tpu.memory_space<vmem_shared>> -> memref<10112x128xf32, #tpu.memory_space<vmem_shared>>
        tpu.enqueue_indirect_dma source(%arg11 : memref<80x128xf32, #tpu.memory_space<vmem>>) target(%dma_start3A_85 : memref<10112x128xf32, #tpu.memory_space<vmem_shared>>) offsets(%arg8 : memref<80xi32, #tpu.memory_space<vmem>>) semaphore(%run_scoped3A : memref<!tpu.dma_semaphore, #tpu.memory_space<semaphore_mem>>) {add = true}
        %dma_wait3A_86 = arith.constant 0 : i32
        %dma_wait3A_87 = arith.constant 0 : i32
        %dma_wait3A_88 = tpu.memref_slice %arg13[%dma_wait3A_86, %dma_wait3A_87] : memref<10112x128xf32, #tpu.memory_space<vmem_shared>> -> memref<10112x128xf32, #tpu.memory_space<vmem_shared>>
        tpu.wait_indirect_dma semaphore(%run_scoped3A : memref<!tpu.dma_semaphore, #tpu.memory_space<semaphore_mem>>) src(%arg11 : memref<80x128xf32, #tpu.memory_space<vmem>>) dst(%dma_wait3A_88 : memref<10112x128xf32, #tpu.memory_space<vmem_shared>>)
        tpu.yield
      }) : () -> ()
      %add3A_56 = arith.constant 2 : i32
      %add3A_57 = arith.addi %mul3A_41, %add3A_56 : i32
      %lt3A = arith.constant 125 : i32
      %lt3A_58 = arith.cmpi slt, %add3A_57, %lt3A : i32
      %convert_element_type3A = arith.extui %lt3A_58 : i1 to i32
      %cond3A = arith.constant 0 : i32
      %cond3A_59 = arith.cmpi ne, %convert_element_type3A, %cond3A : i32
      scf.if %cond3A_59 {
        %add3A_83 = arith.constant 2 : i32
        %add3A_84 = arith.addi %mul3A_41, %add3A_83 : i32
        %mul3A_85 = arith.constant 80 : i32
        %mul3A_86 = arith.muli %add3A_84, %mul3A_85 : i32
        %add3A_87 = arith.addi %mul3A_4, %mul3A_86 : i32
        %dma_start3A_88 = tpu.memref_slice %arg3[%add3A_87] : memref<320000xi32, #tpu.memory_space<hbm>> -> memref<80xi32, #tpu.memory_space<hbm>>
        %dma_start3A_89 = tpu.memref_slice %arg3[%add3A_87] : memref<320000xi32, #tpu.memory_space<hbm>> -> memref<80xi32, #tpu.memory_space<hbm>>
        tpu.enqueue_dma source(%dma_start3A_89 : memref<80xi32, #tpu.memory_space<hbm>>) target(%arg7 : memref<80xi32, #tpu.memory_space<vmem>>) target_semaphore(%arg14 : memref<!tpu.dma_semaphore, #tpu.memory_space<semaphore_mem>>)
        %dma_start3A_90 = tpu.memref_slice %arg4[%add3A_87] : memref<320000xi32, #tpu.memory_space<hbm>> -> memref<80xi32, #tpu.memory_space<hbm>>
        %dma_start3A_91 = tpu.memref_slice %arg4[%add3A_87] : memref<320000xi32, #tpu.memory_space<hbm>> -> memref<80xi32, #tpu.memory_space<hbm>>
        tpu.enqueue_dma source(%dma_start3A_91 : memref<80xi32, #tpu.memory_space<hbm>>) target(%arg8 : memref<80xi32, #tpu.memory_space<vmem>>) target_semaphore(%arg14 : memref<!tpu.dma_semaphore, #tpu.memory_space<semaphore_mem>>)
      } else {
      }
      %add3A_60 = arith.constant 1 : i32
      %add3A_61 = arith.addi %mul3A_41, %add3A_60 : i32
      %dma_wait3A_62 = arith.constant 0 : i32
      %dma_wait3A_63 = arith.constant 0 : i32
      %dma_wait3A_64 = tpu.memref_slice %arg2[%dma_wait3A_62, %dma_wait3A_63] : memref<10000x128xf32, #tpu.memory_space<hbm>> -> memref<10000x128xf32, #tpu.memory_space<hbm>>
      tpu.wait_indirect_dma semaphore(%arg17 : memref<!tpu.dma_semaphore, #tpu.memory_space<semaphore_mem>>) src(%dma_wait3A_64 : memref<10000x128xf32, #tpu.memory_space<hbm>>) dst(%arg12 : memref<80x128xf32, #tpu.memory_space<vmem>>)
      %dma_wait3A_65 = arith.constant 0 : i32
      %dma_wait3A_66 = tpu.memref_slice %arg3[%dma_wait3A_65] : memref<320000xi32, #tpu.memory_space<hbm>> -> memref<80xi32, #tpu.memory_space<hbm>>
      %dma_wait3A_67 = arith.constant 0 : i32
      %dma_wait3A_68 = tpu.memref_slice %arg3[%dma_wait3A_67] : memref<320000xi32, #tpu.memory_space<hbm>> -> memref<80xi32, #tpu.memory_space<hbm>>
      tpu.wait_dma2 semaphore(%arg14 : memref<!tpu.dma_semaphore, #tpu.memory_space<semaphore_mem>>) src(%dma_wait3A_68 : memref<80xi32, #tpu.memory_space<hbm>>) dst(%arg7 : memref<80xi32, #tpu.memory_space<vmem>>)
      %dma_wait3A_69 = arith.constant 0 : i32
      %dma_wait3A_70 = tpu.memref_slice %arg4[%dma_wait3A_69] : memref<320000xi32, #tpu.memory_space<hbm>> -> memref<80xi32, #tpu.memory_space<hbm>>
      %dma_wait3A_71 = arith.constant 0 : i32
      %dma_wait3A_72 = tpu.memref_slice %arg4[%dma_wait3A_71] : memref<320000xi32, #tpu.memory_space<hbm>> -> memref<80xi32, #tpu.memory_space<hbm>>
      tpu.wait_dma2 semaphore(%arg14 : memref<!tpu.dma_semaphore, #tpu.memory_space<semaphore_mem>>) src(%dma_wait3A_72 : memref<80xi32, #tpu.memory_space<hbm>>) dst(%arg8 : memref<80xi32, #tpu.memory_space<vmem>>)
      %dma_start3A_73 = arith.constant 0 : i32
      %dma_start3A_74 = arith.constant 0 : i32
      %dma_start3A_75 = tpu.memref_slice %arg2[%dma_start3A_73, %dma_start3A_74] : memref<10000x128xf32, #tpu.memory_space<hbm>> -> memref<10000x128xf32, #tpu.memory_space<hbm>>
      tpu.enqueue_indirect_dma source(%dma_start3A_75 : memref<10000x128xf32, #tpu.memory_space<hbm>>) target(%arg11 : memref<80x128xf32, #tpu.memory_space<vmem>>) offsets(%arg7 : memref<80xi32, #tpu.memory_space<vmem>>) semaphore(%arg16 : memref<!tpu.dma_semaphore, #tpu.memory_space<semaphore_mem>>)
      "tpu.region"() ({
        %run_scoped3A = tpu.sem_alloc : memref<!tpu.dma_semaphore, #tpu.memory_space<semaphore_mem>>
        %dma_start3A_83 = arith.constant 0 : i32
        %dma_start3A_84 = arith.constant 0 : i32
        %dma_start3A_85 = tpu.memref_slice %arg13[%dma_start3A_83, %dma_start3A_84] : memref<10112x128xf32, #tpu.memory_space<vmem_shared>> -> memref<10112x128xf32, #tpu.memory_space<vmem_shared>>
        tpu.enqueue_indirect_dma source(%arg12 : memref<80x128xf32, #tpu.memory_space<vmem>>) target(%dma_start3A_85 : memref<10112x128xf32, #tpu.memory_space<vmem_shared>>) offsets(%arg10 : memref<80xi32, #tpu.memory_space<vmem>>) semaphore(%run_scoped3A : memref<!tpu.dma_semaphore, #tpu.memory_space<semaphore_mem>>) {add = true}
        %dma_wait3A_86 = arith.constant 0 : i32
        %dma_wait3A_87 = arith.constant 0 : i32
        %dma_wait3A_88 = tpu.memref_slice %arg13[%dma_wait3A_86, %dma_wait3A_87] : memref<10112x128xf32, #tpu.memory_space<vmem_shared>> -> memref<10112x128xf32, #tpu.memory_space<vmem_shared>>
        tpu.wait_indirect_dma semaphore(%run_scoped3A : memref<!tpu.dma_semaphore, #tpu.memory_space<semaphore_mem>>) src(%arg12 : memref<80x128xf32, #tpu.memory_space<vmem>>) dst(%dma_wait3A_88 : memref<10112x128xf32, #tpu.memory_space<vmem_shared>>)
        tpu.yield
      }) : () -> ()
      %add3A_76 = arith.constant 2 : i32
      %add3A_77 = arith.addi %add3A_61, %add3A_76 : i32
      %lt3A_78 = arith.constant 125 : i32
      %lt3A_79 = arith.cmpi slt, %add3A_77, %lt3A_78 : i32
      %convert_element_type3A_80 = arith.extui %lt3A_79 : i1 to i32
      %cond3A_81 = arith.constant 0 : i32
      %cond3A_82 = arith.cmpi ne, %convert_element_type3A_80, %cond3A_81 : i32
      scf.if %cond3A_82 {
        %add3A_83 = arith.constant 2 : i32
        %add3A_84 = arith.addi %add3A_61, %add3A_83 : i32
        %mul3A_85 = arith.constant 80 : i32
        %mul3A_86 = arith.muli %add3A_84, %mul3A_85 : i32
        %add3A_87 = arith.addi %mul3A_4, %mul3A_86 : i32
        %dma_start3A_88 = tpu.memref_slice %arg3[%add3A_87] : memref<320000xi32, #tpu.memory_space<hbm>> -> memref<80xi32, #tpu.memory_space<hbm>>
        %dma_start3A_89 = tpu.memref_slice %arg3[%add3A_87] : memref<320000xi32, #tpu.memory_space<hbm>> -> memref<80xi32, #tpu.memory_space<hbm>>
        tpu.enqueue_dma source(%dma_start3A_89 : memref<80xi32, #tpu.memory_space<hbm>>) target(%arg9 : memref<80xi32, #tpu.memory_space<vmem>>) target_semaphore(%arg15 : memref<!tpu.dma_semaphore, #tpu.memory_space<semaphore_mem>>)
        %dma_start3A_90 = tpu.memref_slice %arg4[%add3A_87] : memref<320000xi32, #tpu.memory_space<hbm>> -> memref<80xi32, #tpu.memory_space<hbm>>
        %dma_start3A_91 = tpu.memref_slice %arg4[%add3A_87] : memref<320000xi32, #tpu.memory_space<hbm>> -> memref<80xi32, #tpu.memory_space<hbm>>
        tpu.enqueue_dma source(%dma_start3A_91 : memref<80xi32, #tpu.memory_space<hbm>>) target(%arg10 : memref<80xi32, #tpu.memory_space<vmem>>) target_semaphore(%arg15 : memref<!tpu.dma_semaphore, #tpu.memory_space<semaphore_mem>>)
      } else {
      }
    }
    %scan3A_30 = arith.constant 62 : i32
    %dma_wait3A_31 = arith.constant 0 : i32
    %dma_wait3A_32 = arith.constant 0 : i32
    %dma_wait3A_33 = tpu.memref_slice %arg2[%dma_wait3A_31, %dma_wait3A_32] : memref<10000x128xf32, #tpu.memory_space<hbm>> -> memref<10000x128xf32, #tpu.memory_space<hbm>>
    tpu.wait_indirect_dma semaphore(%arg16 : memref<!tpu.dma_semaphore, #tpu.memory_space<semaphore_mem>>) src(%dma_wait3A_33 : memref<10000x128xf32, #tpu.memory_space<hbm>>) dst(%arg11 : memref<80x128xf32, #tpu.memory_space<vmem>>)
    "tpu.region"() ({
      %run_scoped3A = tpu.sem_alloc : memref<!tpu.dma_semaphore, #tpu.memory_space<semaphore_mem>>
      %dma_start3A_39 = arith.constant 0 : i32
      %dma_start3A_40 = arith.constant 0 : i32
      %dma_start3A_41 = tpu.memref_slice %arg13[%dma_start3A_39, %dma_start3A_40] : memref<10112x128xf32, #tpu.memory_space<vmem_shared>> -> memref<10112x128xf32, #tpu.memory_space<vmem_shared>>
      tpu.enqueue_indirect_dma source(%arg11 : memref<80x128xf32, #tpu.memory_space<vmem>>) target(%dma_start3A_41 : memref<10112x128xf32, #tpu.memory_space<vmem_shared>>) offsets(%arg8 : memref<80xi32, #tpu.memory_space<vmem>>) semaphore(%run_scoped3A : memref<!tpu.dma_semaphore, #tpu.memory_space<semaphore_mem>>) {add = true}
      %dma_wait3A_42 = arith.constant 0 : i32
      %dma_wait3A_43 = arith.constant 0 : i32
      %dma_wait3A_44 = tpu.memref_slice %arg13[%dma_wait3A_42, %dma_wait3A_43] : memref<10112x128xf32, #tpu.memory_space<vmem_shared>> -> memref<10112x128xf32, #tpu.memory_space<vmem_shared>>
      tpu.wait_indirect_dma semaphore(%run_scoped3A : memref<!tpu.dma_semaphore, #tpu.memory_space<semaphore_mem>>) src(%arg11 : memref<80x128xf32, #tpu.memory_space<vmem>>) dst(%dma_wait3A_44 : memref<10112x128xf32, #tpu.memory_space<vmem_shared>>)
      tpu.yield
    }) : () -> ()
    %barrier3A_34 = arith.constant 0 : index
    tpu.barrier barrier_id(%barrier3A_34)
    %mul3A_35 = arith.constant 632 : i32
    %mul3A_36 = arith.muli %arg1, %mul3A_35 : i32
    %mul3A_37 = arith.constant 632 : i32
    %mul3A_38 = arith.muli %arg1, %mul3A_37 : i32
    "tpu.region"() ({
      %run_scoped3A = tpu.sem_alloc : memref<!tpu.dma_semaphore, #tpu.memory_space<semaphore_mem>>
      %dma_start3A_39 = arith.constant 0 : i32
      %dma_start3A_40 = tpu.memref_slice %arg6[%arg0, %mul3A_38, %dma_start3A_39] : memref<2x10112x128xf32, #tpu.memory_space<hbm>> -> memref<1x632x128xf32, #tpu.memory_space<hbm>>
      %dma_start3A_41 = tpu.memref_squeeze %dma_start3A_40 : memref<1x632x128xf32, #tpu.memory_space<hbm>> -> memref<632x128xf32, #tpu.memory_space<hbm>>
      %dma_start3A_42 = arith.constant 0 : i32
      %dma_start3A_43 = tpu.memref_slice %arg13[%mul3A_36, %dma_start3A_42] : memref<10112x128xf32, #tpu.memory_space<vmem_shared>> -> memref<632x128xf32, #tpu.memory_space<vmem_shared>>
      tpu.enqueue_dma source(%dma_start3A_43 : memref<632x128xf32, #tpu.memory_space<vmem_shared>>) target(%dma_start3A_41 : memref<632x128xf32, #tpu.memory_space<hbm>>) target_semaphore(%run_scoped3A : memref<!tpu.dma_semaphore, #tpu.memory_space<semaphore_mem>>)
      %dma_wait3A_44 = arith.constant 0 : i32
      %dma_wait3A_45 = tpu.memref_slice %arg6[%arg0, %mul3A_38, %dma_wait3A_44] : memref<2x10112x128xf32, #tpu.memory_space<hbm>> -> memref<1x632x128xf32, #tpu.memory_space<hbm>>
      %dma_wait3A_46 = tpu.memref_squeeze %dma_wait3A_45 : memref<1x632x128xf32, #tpu.memory_space<hbm>> -> memref<632x128xf32, #tpu.memory_space<hbm>>
      %dma_wait3A_47 = arith.constant 0 : i32
      %dma_wait3A_48 = tpu.memref_slice %arg13[%mul3A_36, %dma_wait3A_47] : memref<10112x128xf32, #tpu.memory_space<vmem_shared>> -> memref<632x128xf32, #tpu.memory_space<vmem_shared>>
      tpu.wait_dma2 semaphore(%run_scoped3A : memref<!tpu.dma_semaphore, #tpu.memory_space<semaphore_mem>>) src(%dma_wait3A_48 : memref<632x128xf32, #tpu.memory_space<vmem_shared>>) dst(%dma_wait3A_46 : memref<632x128xf32, #tpu.memory_space<hbm>>)
      tpu.yield
    }) : () -> ()
    return
  }
}

#map = affine_map<(d0, d1) -> (0, 0)>
#map1 = affine_map<(d0, d1) -> (0)>
#map2 = affine_map<(d0, d1) -> (0, 0, 0)>
module attributes {stable_mosaic.version = 14 : i64} {
  func.func @_agg_body(%arg0: i32, %arg1: i32, %arg2: memref<10000x128xf32, #tpu.memory_space<hbm>>, %arg3: memref<320000xi32, #tpu.memory_space<hbm>>, %arg4: memref<320000xi32, #tpu.memory_space<hbm>>, %arg5: memref<632x128xf32, #tpu.memory_space<hbm>>, %arg6: memref<2x10112x128xf32, #tpu.memory_space<hbm>>, %arg7: memref<80xi32, #tpu.memory_space<vmem>>, %arg8: memref<80xi32, #tpu.memory_space<vmem>>, %arg9: memref<80xi32, #tpu.memory_space<vmem>>, %arg10: memref<80xi32, #tpu.memory_space<vmem>>, %arg11: memref<80x128xf32, #tpu.memory_space<vmem>>, %arg12: memref<80x128xf32, #tpu.memory_space<vmem>>, %arg13: memref<10112x128xf32, #tpu.memory_space<vmem_shared>>, %arg14: memref<!tpu.dma_semaphore, #tpu.memory_space<semaphore_mem>>, %arg15: memref<!tpu.dma_semaphore, #tpu.memory_space<semaphore_mem>>, %arg16: memref<!tpu.dma_semaphore, #tpu.memory_space<semaphore_mem>>, %arg17: memref<!tpu.dma_semaphore, #tpu.memory_space<semaphore_mem>>) attributes {dimension_semantics = [#tpu.dimension_semantics<core_parallel>, #tpu.dimension_semantics<subcore_parallel>], iteration_bounds = array<i64: 2, 16>, scalar_prefetch = 0 : i64, scratch_operands = 11 : i64, tpu.core_type = #tpu.core_type<sc_vector_subcore>, window_params = [{transform_indices = #map}, {transform_indices = #map1}, {transform_indices = #map1}, {transform_indices = #map}, {transform_indices = #map2}]} {
    %mul3A = arith.constant 2 : i32
    %mul3A_0 = arith.muli %arg1, %mul3A : i32
    %add3A = arith.addi %mul3A_0, %arg0 : i32
    %mul3A_1 = arith.constant 632 : i32
    %mul3A_2 = arith.muli %arg1, %mul3A_1 : i32
    "tpu.region"() ({
      %run_scoped3A = tpu.sem_alloc : memref<!tpu.dma_semaphore, #tpu.memory_space<semaphore_mem>>
      %dma_start3A_39 = arith.constant 0 : i32
      %dma_start3A_40 = tpu.memref_slice %arg13[%mul3A_2, %dma_start3A_39] : memref<10112x128xf32, #tpu.memory_space<vmem_shared>> -> memref<632x128xf32, #tpu.memory_space<vmem_shared>>
      tpu.enqueue_dma source(%arg5 : memref<632x128xf32, #tpu.memory_space<hbm>>) target(%dma_start3A_40 : memref<632x128xf32, #tpu.memory_space<vmem_shared>>) target_semaphore(%run_scoped3A : memref<!tpu.dma_semaphore, #tpu.memory_space<semaphore_mem>>)
      %dma_wait3A_41 = arith.constant 0 : i32
      %dma_wait3A_42 = tpu.memref_slice %arg13[%mul3A_2, %dma_wait3A_41] : memref<10112x128xf32, #tpu.memory_space<vmem_shared>> -> memref<632x128xf32, #tpu.memory_space<vmem_shared>>
      tpu.wait_dma2 semaphore(%run_scoped3A : memref<!tpu.dma_semaphore, #tpu.memory_space<semaphore_mem>>) src(%arg5 : memref<632x128xf32, #tpu.memory_space<hbm>>) dst(%dma_wait3A_42 : memref<632x128xf32, #tpu.memory_space<vmem_shared>>)
      tpu.yield
    }) : () -> ()
    %barrier3A = arith.constant 0 : index
    tpu.barrier barrier_id(%barrier3A)
    %mul3A_3 = arith.constant 10000 : i32
    %mul3A_4 = arith.muli %add3A, %mul3A_3 : i32
    %add3A_5 = arith.constant 0 : i32
    %add3A_6 = arith.addi %mul3A_4, %add3A_5 : i32
    %dma_start3A = tpu.memref_slice %arg3[%add3A_6] : memref<320000xi32, #tpu.memory_space<hbm>> -> memref<80xi32, #tpu.memory_space<hbm>>
    %dma_start3A_7 = tpu.memref_slice %arg3[%add3A_6] : memref<320000xi32, #tpu.memory_space<hbm>> -> memref<80xi32, #tpu.memory_space<hbm>>
    tpu.enqueue_dma source(%dma_start3A_7 : memref<80xi32, #tpu.memory_space<hbm>>) target(%arg7 : memref<80xi32, #tpu.memory_space<vmem>>) target_semaphore(%arg14 : memref<!tpu.dma_semaphore, #tpu.memory_space<semaphore_mem>>)
    %dma_start3A_8 = tpu.memref_slice %arg4[%add3A_6] : memref<320000xi32, #tpu.memory_space<hbm>> -> memref<80xi32, #tpu.memory_space<hbm>>
    %dma_start3A_9 = tpu.memref_slice %arg4[%add3A_6] : memref<320000xi32, #tpu.memory_space<hbm>> -> memref<80xi32, #tpu.memory_space<hbm>>
    tpu.enqueue_dma source(%dma_start3A_9 : memref<80xi32, #tpu.memory_space<hbm>>) target(%arg8 : memref<80xi32, #tpu.memory_space<vmem>>) target_semaphore(%arg14 : memref<!tpu.dma_semaphore, #tpu.memory_space<semaphore_mem>>)
    %add3A_10 = arith.constant 80 : i32
    %add3A_11 = arith.addi %mul3A_4, %add3A_10 : i32
    %dma_start3A_12 = tpu.memref_slice %arg3[%add3A_11] : memref<320000xi32, #tpu.memory_space<hbm>> -> memref<80xi32, #tpu.memory_space<hbm>>
    %dma_start3A_13 = tpu.memref_slice %arg3[%add3A_11] : memref<320000xi32, #tpu.memory_space<hbm>> -> memref<80xi32, #tpu.memory_space<hbm>>
    tpu.enqueue_dma source(%dma_start3A_13 : memref<80xi32, #tpu.memory_space<hbm>>) target(%arg9 : memref<80xi32, #tpu.memory_space<vmem>>) target_semaphore(%arg15 : memref<!tpu.dma_semaphore, #tpu.memory_space<semaphore_mem>>)
    %dma_start3A_14 = tpu.memref_slice %arg4[%add3A_11] : memref<320000xi32, #tpu.memory_space<hbm>> -> memref<80xi32, #tpu.memory_space<hbm>>
    %dma_start3A_15 = tpu.memref_slice %arg4[%add3A_11] : memref<320000xi32, #tpu.memory_space<hbm>> -> memref<80xi32, #tpu.memory_space<hbm>>
    tpu.enqueue_dma source(%dma_start3A_15 : memref<80xi32, #tpu.memory_space<hbm>>) target(%arg10 : memref<80xi32, #tpu.memory_space<vmem>>) target_semaphore(%arg15 : memref<!tpu.dma_semaphore, #tpu.memory_space<semaphore_mem>>)
    %dma_wait3A = arith.constant 0 : i32
    %dma_wait3A_16 = tpu.memref_slice %arg3[%dma_wait3A] : memref<320000xi32, #tpu.memory_space<hbm>> -> memref<80xi32, #tpu.memory_space<hbm>>
    %dma_wait3A_17 = arith.constant 0 : i32
    %dma_wait3A_18 = tpu.memref_slice %arg3[%dma_wait3A_17] : memref<320000xi32, #tpu.memory_space<hbm>> -> memref<80xi32, #tpu.memory_space<hbm>>
    tpu.wait_dma2 semaphore(%arg14 : memref<!tpu.dma_semaphore, #tpu.memory_space<semaphore_mem>>) src(%dma_wait3A_18 : memref<80xi32, #tpu.memory_space<hbm>>) dst(%arg7 : memref<80xi32, #tpu.memory_space<vmem>>)
    %dma_wait3A_19 = arith.constant 0 : i32
    %dma_wait3A_20 = tpu.memref_slice %arg4[%dma_wait3A_19] : memref<320000xi32, #tpu.memory_space<hbm>> -> memref<80xi32, #tpu.memory_space<hbm>>
    %dma_wait3A_21 = arith.constant 0 : i32
    %dma_wait3A_22 = tpu.memref_slice %arg4[%dma_wait3A_21] : memref<320000xi32, #tpu.memory_space<hbm>> -> memref<80xi32, #tpu.memory_space<hbm>>
    tpu.wait_dma2 semaphore(%arg14 : memref<!tpu.dma_semaphore, #tpu.memory_space<semaphore_mem>>) src(%dma_wait3A_22 : memref<80xi32, #tpu.memory_space<hbm>>) dst(%arg8 : memref<80xi32, #tpu.memory_space<vmem>>)
    %dma_start3A_23 = arith.constant 0 : i32
    %dma_start3A_24 = arith.constant 0 : i32
    %dma_start3A_25 = tpu.memref_slice %arg2[%dma_start3A_23, %dma_start3A_24] : memref<10000x128xf32, #tpu.memory_space<hbm>> -> memref<10000x128xf32, #tpu.memory_space<hbm>>
    tpu.enqueue_indirect_dma source(%dma_start3A_25 : memref<10000x128xf32, #tpu.memory_space<hbm>>) target(%arg11 : memref<80x128xf32, #tpu.memory_space<vmem>>) offsets(%arg7 : memref<80xi32, #tpu.memory_space<vmem>>) semaphore(%arg16 : memref<!tpu.dma_semaphore, #tpu.memory_space<semaphore_mem>>)
    %scan3A = arith.constant 0 : i32
    %scan3A_26 = arith.constant 0 : i32
    %scan3A_27 = arith.constant 62 : i32
    %scan3A_28 = arith.addi %scan3A_26, %scan3A_27 : i32
    %scan3A_29 = arith.constant 1 : i32
    scf.for %scan3A_39 = %scan3A_26 to %scan3A_28 step %scan3A_29  : i32 {
      %mul3A_40 = arith.constant 2 : i32
      %mul3A_41 = arith.muli %mul3A_40, %scan3A_39 : i32
      %dma_wait3A_42 = arith.constant 0 : i32
      %dma_wait3A_43 = arith.constant 0 : i32
      %dma_wait3A_44 = tpu.memref_slice %arg2[%dma_wait3A_42, %dma_wait3A_43] : memref<10000x128xf32, #tpu.memory_space<hbm>> -> memref<10000x128xf32, #tpu.memory_space<hbm>>
      tpu.wait_indirect_dma semaphore(%arg16 : memref<!tpu.dma_semaphore, #tpu.memory_space<semaphore_mem>>) src(%dma_wait3A_44 : memref<10000x128xf32, #tpu.memory_space<hbm>>) dst(%arg11 : memref<80x128xf32, #tpu.memory_space<vmem>>)
      %dma_wait3A_45 = arith.constant 0 : i32
      %dma_wait3A_46 = tpu.memref_slice %arg3[%dma_wait3A_45] : memref<320000xi32, #tpu.memory_space<hbm>> -> memref<80xi32, #tpu.memory_space<hbm>>
      %dma_wait3A_47 = arith.constant 0 : i32
      %dma_wait3A_48 = tpu.memref_slice %arg3[%dma_wait3A_47] : memref<320000xi32, #tpu.memory_space<hbm>> -> memref<80xi32, #tpu.memory_space<hbm>>
      tpu.wait_dma2 semaphore(%arg15 : memref<!tpu.dma_semaphore, #tpu.memory_space<semaphore_mem>>) src(%dma_wait3A_48 : memref<80xi32, #tpu.memory_space<hbm>>) dst(%arg9 : memref<80xi32, #tpu.memory_space<vmem>>)
      %dma_wait3A_49 = arith.constant 0 : i32
      %dma_wait3A_50 = tpu.memref_slice %arg4[%dma_wait3A_49] : memref<320000xi32, #tpu.memory_space<hbm>> -> memref<80xi32, #tpu.memory_space<hbm>>
      %dma_wait3A_51 = arith.constant 0 : i32
      %dma_wait3A_52 = tpu.memref_slice %arg4[%dma_wait3A_51] : memref<320000xi32, #tpu.memory_space<hbm>> -> memref<80xi32, #tpu.memory_space<hbm>>
      tpu.wait_dma2 semaphore(%arg15 : memref<!tpu.dma_semaphore, #tpu.memory_space<semaphore_mem>>) src(%dma_wait3A_52 : memref<80xi32, #tpu.memory_space<hbm>>) dst(%arg10 : memref<80xi32, #tpu.memory_space<vmem>>)
      %dma_start3A_53 = arith.constant 0 : i32
      %dma_start3A_54 = arith.constant 0 : i32
      %dma_start3A_55 = tpu.memref_slice %arg2[%dma_start3A_53, %dma_start3A_54] : memref<10000x128xf32, #tpu.memory_space<hbm>> -> memref<10000x128xf32, #tpu.memory_space<hbm>>
      tpu.enqueue_indirect_dma source(%dma_start3A_55 : memref<10000x128xf32, #tpu.memory_space<hbm>>) target(%arg12 : memref<80x128xf32, #tpu.memory_space<vmem>>) offsets(%arg9 : memref<80xi32, #tpu.memory_space<vmem>>) semaphore(%arg17 : memref<!tpu.dma_semaphore, #tpu.memory_space<semaphore_mem>>)
      "tpu.region"() ({
        %run_scoped3A = tpu.sem_alloc : memref<!tpu.dma_semaphore, #tpu.memory_space<semaphore_mem>>
        %dma_start3A_83 = arith.constant 0 : i32
        %dma_start3A_84 = arith.constant 0 : i32
        %dma_start3A_85 = tpu.memref_slice %arg13[%dma_start3A_83, %dma_start3A_84] : memref<10112x128xf32, #tpu.memory_space<vmem_shared>> -> memref<10112x128xf32, #tpu.memory_space<vmem_shared>>
        tpu.enqueue_indirect_dma source(%arg11 : memref<80x128xf32, #tpu.memory_space<vmem>>) target(%dma_start3A_85 : memref<10112x128xf32, #tpu.memory_space<vmem_shared>>) offsets(%arg8 : memref<80xi32, #tpu.memory_space<vmem>>) semaphore(%run_scoped3A : memref<!tpu.dma_semaphore, #tpu.memory_space<semaphore_mem>>) {add = true}
        %dma_wait3A_86 = arith.constant 0 : i32
        %dma_wait3A_87 = arith.constant 0 : i32
        %dma_wait3A_88 = tpu.memref_slice %arg13[%dma_wait3A_86, %dma_wait3A_87] : memref<10112x128xf32, #tpu.memory_space<vmem_shared>> -> memref<10112x128xf32, #tpu.memory_space<vmem_shared>>
        tpu.wait_indirect_dma semaphore(%run_scoped3A : memref<!tpu.dma_semaphore, #tpu.memory_space<semaphore_mem>>) src(%arg11 : memref<80x128xf32, #tpu.memory_space<vmem>>) dst(%dma_wait3A_88 : memref<10112x128xf32, #tpu.memory_space<vmem_shared>>)
        tpu.yield
      }) : () -> ()
      %add3A_56 = arith.constant 2 : i32
      %add3A_57 = arith.addi %mul3A_41, %add3A_56 : i32
      %lt3A = arith.constant 125 : i32
      %lt3A_58 = arith.cmpi slt, %add3A_57, %lt3A : i32
      %convert_element_type3A = arith.extui %lt3A_58 : i1 to i32
      %cond3A = arith.constant 0 : i32
      %cond3A_59 = arith.cmpi ne, %convert_element_type3A, %cond3A : i32
      scf.if %cond3A_59 {
        %add3A_83 = arith.constant 2 : i32
        %add3A_84 = arith.addi %mul3A_41, %add3A_83 : i32
        %mul3A_85 = arith.constant 80 : i32
        %mul3A_86 = arith.muli %add3A_84, %mul3A_85 : i32
        %add3A_87 = arith.addi %mul3A_4, %mul3A_86 : i32
        %dma_start3A_88 = tpu.memref_slice %arg3[%add3A_87] : memref<320000xi32, #tpu.memory_space<hbm>> -> memref<80xi32, #tpu.memory_space<hbm>>
        %dma_start3A_89 = tpu.memref_slice %arg3[%add3A_87] : memref<320000xi32, #tpu.memory_space<hbm>> -> memref<80xi32, #tpu.memory_space<hbm>>
        tpu.enqueue_dma source(%dma_start3A_89 : memref<80xi32, #tpu.memory_space<hbm>>) target(%arg7 : memref<80xi32, #tpu.memory_space<vmem>>) target_semaphore(%arg14 : memref<!tpu.dma_semaphore, #tpu.memory_space<semaphore_mem>>)
        %dma_start3A_90 = tpu.memref_slice %arg4[%add3A_87] : memref<320000xi32, #tpu.memory_space<hbm>> -> memref<80xi32, #tpu.memory_space<hbm>>
        %dma_start3A_91 = tpu.memref_slice %arg4[%add3A_87] : memref<320000xi32, #tpu.memory_space<hbm>> -> memref<80xi32, #tpu.memory_space<hbm>>
        tpu.enqueue_dma source(%dma_start3A_91 : memref<80xi32, #tpu.memory_space<hbm>>) target(%arg8 : memref<80xi32, #tpu.memory_space<vmem>>) target_semaphore(%arg14 : memref<!tpu.dma_semaphore, #tpu.memory_space<semaphore_mem>>)
      } else {
      }
      %add3A_60 = arith.constant 1 : i32
      %add3A_61 = arith.addi %mul3A_41, %add3A_60 : i32
      %dma_wait3A_62 = arith.constant 0 : i32
      %dma_wait3A_63 = arith.constant 0 : i32
      %dma_wait3A_64 = tpu.memref_slice %arg2[%dma_wait3A_62, %dma_wait3A_63] : memref<10000x128xf32, #tpu.memory_space<hbm>> -> memref<10000x128xf32, #tpu.memory_space<hbm>>
      tpu.wait_indirect_dma semaphore(%arg17 : memref<!tpu.dma_semaphore, #tpu.memory_space<semaphore_mem>>) src(%dma_wait3A_64 : memref<10000x128xf32, #tpu.memory_space<hbm>>) dst(%arg12 : memref<80x128xf32, #tpu.memory_space<vmem>>)
      %dma_wait3A_65 = arith.constant 0 : i32
      %dma_wait3A_66 = tpu.memref_slice %arg3[%dma_wait3A_65] : memref<320000xi32, #tpu.memory_space<hbm>> -> memref<80xi32, #tpu.memory_space<hbm>>
      %dma_wait3A_67 = arith.constant 0 : i32
      %dma_wait3A_68 = tpu.memref_slice %arg3[%dma_wait3A_67] : memref<320000xi32, #tpu.memory_space<hbm>> -> memref<80xi32, #tpu.memory_space<hbm>>
      tpu.wait_dma2 semaphore(%arg14 : memref<!tpu.dma_semaphore, #tpu.memory_space<semaphore_mem>>) src(%dma_wait3A_68 : memref<80xi32, #tpu.memory_space<hbm>>) dst(%arg7 : memref<80xi32, #tpu.memory_space<vmem>>)
      %dma_wait3A_69 = arith.constant 0 : i32
      %dma_wait3A_70 = tpu.memref_slice %arg4[%dma_wait3A_69] : memref<320000xi32, #tpu.memory_space<hbm>> -> memref<80xi32, #tpu.memory_space<hbm>>
      %dma_wait3A_71 = arith.constant 0 : i32
      %dma_wait3A_72 = tpu.memref_slice %arg4[%dma_wait3A_71] : memref<320000xi32, #tpu.memory_space<hbm>> -> memref<80xi32, #tpu.memory_space<hbm>>
      tpu.wait_dma2 semaphore(%arg14 : memref<!tpu.dma_semaphore, #tpu.memory_space<semaphore_mem>>) src(%dma_wait3A_72 : memref<80xi32, #tpu.memory_space<hbm>>) dst(%arg8 : memref<80xi32, #tpu.memory_space<vmem>>)
      %dma_start3A_73 = arith.constant 0 : i32
      %dma_start3A_74 = arith.constant 0 : i32
      %dma_start3A_75 = tpu.memref_slice %arg2[%dma_start3A_73, %dma_start3A_74] : memref<10000x128xf32, #tpu.memory_space<hbm>> -> memref<10000x128xf32, #tpu.memory_space<hbm>>
      tpu.enqueue_indirect_dma source(%dma_start3A_75 : memref<10000x128xf32, #tpu.memory_space<hbm>>) target(%arg11 : memref<80x128xf32, #tpu.memory_space<vmem>>) offsets(%arg7 : memref<80xi32, #tpu.memory_space<vmem>>) semaphore(%arg16 : memref<!tpu.dma_semaphore, #tpu.memory_space<semaphore_mem>>)
      "tpu.region"() ({
        %run_scoped3A = tpu.sem_alloc : memref<!tpu.dma_semaphore, #tpu.memory_space<semaphore_mem>>
        %dma_start3A_83 = arith.constant 0 : i32
        %dma_start3A_84 = arith.constant 0 : i32
        %dma_start3A_85 = tpu.memref_slice %arg13[%dma_start3A_83, %dma_start3A_84] : memref<10112x128xf32, #tpu.memory_space<vmem_shared>> -> memref<10112x128xf32, #tpu.memory_space<vmem_shared>>
        tpu.enqueue_indirect_dma source(%arg12 : memref<80x128xf32, #tpu.memory_space<vmem>>) target(%dma_start3A_85 : memref<10112x128xf32, #tpu.memory_space<vmem_shared>>) offsets(%arg10 : memref<80xi32, #tpu.memory_space<vmem>>) semaphore(%run_scoped3A : memref<!tpu.dma_semaphore, #tpu.memory_space<semaphore_mem>>) {add = true}
        %dma_wait3A_86 = arith.constant 0 : i32
        %dma_wait3A_87 = arith.constant 0 : i32
        %dma_wait3A_88 = tpu.memref_slice %arg13[%dma_wait3A_86, %dma_wait3A_87] : memref<10112x128xf32, #tpu.memory_space<vmem_shared>> -> memref<10112x128xf32, #tpu.memory_space<vmem_shared>>
        tpu.wait_indirect_dma semaphore(%run_scoped3A : memref<!tpu.dma_semaphore, #tpu.memory_space<semaphore_mem>>) src(%arg12 : memref<80x128xf32, #tpu.memory_space<vmem>>) dst(%dma_wait3A_88 : memref<10112x128xf32, #tpu.memory_space<vmem_shared>>)
        tpu.yield
      }) : () -> ()
      %add3A_76 = arith.constant 2 : i32
      %add3A_77 = arith.addi %add3A_61, %add3A_76 : i32
      %lt3A_78 = arith.constant 125 : i32
      %lt3A_79 = arith.cmpi slt, %add3A_77, %lt3A_78 : i32
      %convert_element_type3A_80 = arith.extui %lt3A_79 : i1 to i32
      %cond3A_81 = arith.constant 0 : i32
      %cond3A_82 = arith.cmpi ne, %convert_element_type3A_80, %cond3A_81 : i32
      scf.if %cond3A_82 {
        %add3A_83 = arith.constant 2 : i32
        %add3A_84 = arith.addi %add3A_61, %add3A_83 : i32
        %mul3A_85 = arith.constant 80 : i32
        %mul3A_86 = arith.muli %add3A_84, %mul3A_85 : i32
        %add3A_87 = arith.addi %mul3A_4, %mul3A_86 : i32
        %dma_start3A_88 = tpu.memref_slice %arg3[%add3A_87] : memref<320000xi32, #tpu.memory_space<hbm>> -> memref<80xi32, #tpu.memory_space<hbm>>
        %dma_start3A_89 = tpu.memref_slice %arg3[%add3A_87] : memref<320000xi32, #tpu.memory_space<hbm>> -> memref<80xi32, #tpu.memory_space<hbm>>
        tpu.enqueue_dma source(%dma_start3A_89 : memref<80xi32, #tpu.memory_space<hbm>>) target(%arg9 : memref<80xi32, #tpu.memory_space<vmem>>) target_semaphore(%arg15 : memref<!tpu.dma_semaphore, #tpu.memory_space<semaphore_mem>>)
        %dma_start3A_90 = tpu.memref_slice %arg4[%add3A_87] : memref<320000xi32, #tpu.memory_space<hbm>> -> memref<80xi32, #tpu.memory_space<hbm>>
        %dma_start3A_91 = tpu.memref_slice %arg4[%add3A_87] : memref<320000xi32, #tpu.memory_space<hbm>> -> memref<80xi32, #tpu.memory_space<hbm>>
        tpu.enqueue_dma source(%dma_start3A_91 : memref<80xi32, #tpu.memory_space<hbm>>) target(%arg10 : memref<80xi32, #tpu.memory_space<vmem>>) target_semaphore(%arg15 : memref<!tpu.dma_semaphore, #tpu.memory_space<semaphore_mem>>)
      } else {
      }
    }
    %scan3A_30 = arith.constant 62 : i32
    %dma_wait3A_31 = arith.constant 0 : i32
    %dma_wait3A_32 = arith.constant 0 : i32
    %dma_wait3A_33 = tpu.memref_slice %arg2[%dma_wait3A_31, %dma_wait3A_32] : memref<10000x128xf32, #tpu.memory_space<hbm>> -> memref<10000x128xf32, #tpu.memory_space<hbm>>
    tpu.wait_indirect_dma semaphore(%arg16 : memref<!tpu.dma_semaphore, #tpu.memory_space<semaphore_mem>>) src(%dma_wait3A_33 : memref<10000x128xf32, #tpu.memory_space<hbm>>) dst(%arg11 : memref<80x128xf32, #tpu.memory_space<vmem>>)
    "tpu.region"() ({
      %run_scoped3A = tpu.sem_alloc : memref<!tpu.dma_semaphore, #tpu.memory_space<semaphore_mem>>
      %dma_start3A_39 = arith.constant 0 : i32
      %dma_start3A_40 = arith.constant 0 : i32
      %dma_start3A_41 = tpu.memref_slice %arg13[%dma_start3A_39, %dma_start3A_40] : memref<10112x128xf32, #tpu.memory_space<vmem_shared>> -> memref<10112x128xf32, #tpu.memory_space<vmem_shared>>
      tpu.enqueue_indirect_dma source(%arg11 : memref<80x128xf32, #tpu.memory_space<vmem>>) target(%dma_start3A_41 : memref<10112x128xf32, #tpu.memory_space<vmem_shared>>) offsets(%arg8 : memref<80xi32, #tpu.memory_space<vmem>>) semaphore(%run_scoped3A : memref<!tpu.dma_semaphore, #tpu.memory_space<semaphore_mem>>) {add = true}
      %dma_wait3A_42 = arith.constant 0 : i32
      %dma_wait3A_43 = arith.constant 0 : i32
      %dma_wait3A_44 = tpu.memref_slice %arg13[%dma_wait3A_42, %dma_wait3A_43] : memref<10112x128xf32, #tpu.memory_space<vmem_shared>> -> memref<10112x128xf32, #tpu.memory_space<vmem_shared>>
      tpu.wait_indirect_dma semaphore(%run_scoped3A : memref<!tpu.dma_semaphore, #tpu.memory_space<semaphore_mem>>) src(%arg11 : memref<80x128xf32, #tpu.memory_space<vmem>>) dst(%dma_wait3A_44 : memref<10112x128xf32, #tpu.memory_space<vmem_shared>>)
      tpu.yield
    }) : () -> ()
    %barrier3A_34 = arith.constant 0 : index
    tpu.barrier barrier_id(%barrier3A_34)
    %mul3A_35 = arith.constant 632 : i32
    %mul3A_36 = arith.muli %arg1, %mul3A_35 : i32
    %mul3A_37 = arith.constant 632 : i32
    %mul3A_38 = arith.muli %arg1, %mul3A_37 : i32
    "tpu.region"() ({
      %run_scoped3A = tpu.sem_alloc : memref<!tpu.dma_semaphore, #tpu.memory_space<semaphore_mem>>
      %dma_start3A_39 = arith.constant 0 : i32
      %dma_start3A_40 = tpu.memref_slice %arg6[%arg0, %mul3A_38, %dma_start3A_39] : memref<2x10112x128xf32, #tpu.memory_space<hbm>> -> memref<1x632x128xf32, #tpu.memory_space<hbm>>
      %dma_start3A_41 = tpu.memref_squeeze %dma_start3A_40 : memref<1x632x128xf32, #tpu.memory_space<hbm>> -> memref<632x128xf32, #tpu.memory_space<hbm>>
      %dma_start3A_42 = arith.constant 0 : i32
      %dma_start3A_43 = tpu.memref_slice %arg13[%mul3A_36, %dma_start3A_42] : memref<10112x128xf32, #tpu.memory_space<vmem_shared>> -> memref<632x128xf32, #tpu.memory_space<vmem_shared>>
      tpu.enqueue_dma source(%dma_start3A_43 : memref<632x128xf32, #tpu.memory_space<vmem_shared>>) target(%dma_start3A_41 : memref<632x128xf32, #tpu.memory_space<hbm>>) target_semaphore(%run_scoped3A : memref<!tpu.dma_semaphore, #tpu.memory_space<semaphore_mem>>)
      %dma_wait3A_44 = arith.constant 0 : i32
      %dma_wait3A_45 = tpu.memref_slice %arg6[%arg0, %mul3A_38, %dma_wait3A_44] : memref<2x10112x128xf32, #tpu.memory_space<hbm>> -> memref<1x632x128xf32, #tpu.memory_space<hbm>>
      %dma_wait3A_46 = tpu.memref_squeeze %dma_wait3A_45 : memref<1x632x128xf32, #tpu.memory_space<hbm>> -> memref<632x128xf32, #tpu.memory_space<hbm>>
      %dma_wait3A_47 = arith.constant 0 : i32
      %dma_wait3A_48 = tpu.memref_slice %arg13[%mul3A_36, %dma_wait3A_47] : memref<10112x128xf32, #tpu.memory_space<vmem_shared>> -> memref<632x128xf32, #tpu.memory_space<vmem_shared>>
      tpu.wait_dma2 semaphore(%run_scoped3A : memref<!tpu.dma_semaphore, #tpu.memory_space<semaphore_mem>>) src(%dma_wait3A_48 : memref<632x128xf32, #tpu.memory_space<vmem_shared>>) dst(%dma_wait3A_46 : memref<632x128xf32, #tpu.memory_space<hbm>>)
      tpu.yield
    }) : () -> ()
    return
  }
}

module attributes {stable_mosaic.version = 14 : i64} {
  func.func @_tc0_body(%arg0: memref<10000x128xf32, #tpu.memory_space<vmem>>, %arg1: memref<2x10112x128xf32, #tpu.memory_space<vmem>>, %arg2: memref<2x10112x128xf32, #tpu.memory_space<vmem>>, %arg3: memref<128x128xf32, #tpu.memory_space<vmem>>, %arg4: memref<128x128xf32, #tpu.memory_space<vmem>>, %arg5: memref<1x128xf32, #tpu.memory_space<vmem>>, %arg6: memref<1x128xf32, #tpu.memory_space<vmem>>, %arg7: memref<1x128xf32, #tpu.memory_space<vmem>>, %arg8: memref<10000x128xf32, #tpu.memory_space<vmem>>, %arg9: memref<10000x1xf32, #tpu.memory_space<vmem>>) attributes {dimension_semantics = [], scalar_prefetch = 0 : i64, scratch_operands = 0 : i64, tpu.core_type = #tpu.core_type<tc>} {
    %get3A = arith.constant 0 : index
    %get3A_0 = arith.constant 0 : index
    %get3A_1 = arith.constant 0 : index
    %get3A_2 = vector.load %arg2[%get3A, %get3A_0, %get3A_1] : memref<2x10112x128xf32, #tpu.memory_space<vmem>>, vector<1x10000x1xf32>
    %get3A_3 = vector.shape_cast %get3A_2 : vector<1x10000x1xf32> to vector<10000x1xf32>
    %get3A_4 = arith.constant 1 : index
    %get3A_5 = arith.constant 0 : index
    %get3A_6 = arith.constant 0 : index
    %get3A_7 = vector.load %arg2[%get3A_4, %get3A_5, %get3A_6] : memref<2x10112x128xf32, #tpu.memory_space<vmem>>, vector<1x10000x1xf32>
    %get3A_8 = vector.shape_cast %get3A_7 : vector<1x10000x1xf32> to vector<10000x1xf32>
    %add3A = arith.addf %get3A_3, %get3A_8 : vector<10000x1xf32>
    %max3A = arith.constant 1.000000e+00 : f32
    %max3A_9 = vector.broadcast %max3A : f32 to vector<10000x1xf32>
    %max3A_10 = arith.maximumf %add3A, %max3A_9 : vector<10000x1xf32>
    %div3A = arith.constant 1.000000e+00 : f32
    %div3A_11 = vector.broadcast %div3A : f32 to vector<10000x1xf32>
    %div3A_12 = arith.divf %div3A_11, %max3A_10 : vector<10000x1xf32>
    %swap3A = arith.constant 0 : index
    %swap3A_13 = arith.constant 0 : index
    %swap3A_14 = vector.load %arg9[%swap3A, %swap3A_13] : memref<10000x1xf32, #tpu.memory_space<vmem>>, vector<10000x1xf32>
    tpu.vector_store %arg9[%swap3A, %swap3A_13], %div3A_12 {strides = array<i32>} : memref<10000x1xf32, #tpu.memory_space<vmem>>, vector<10000x1xf32>,
    %get3A_15 = arith.constant 0 : index
    %get3A_16 = arith.constant 0 : index
    %get3A_17 = arith.constant 0 : index
    %get3A_18 = vector.load %arg1[%get3A_15, %get3A_16, %get3A_17] : memref<2x10112x128xf32, #tpu.memory_space<vmem>>, vector<1x10000x128xf32>
    %get3A_19 = vector.shape_cast %get3A_18 : vector<1x10000x128xf32> to vector<10000x128xf32>
    %get3A_20 = arith.constant 1 : index
    %get3A_21 = arith.constant 0 : index
    %get3A_22 = arith.constant 0 : index
    %get3A_23 = vector.load %arg1[%get3A_20, %get3A_21, %get3A_22] : memref<2x10112x128xf32, #tpu.memory_space<vmem>>, vector<1x10000x128xf32>
    %get3A_24 = vector.shape_cast %get3A_23 : vector<1x10000x128xf32> to vector<10000x128xf32>
    %add3A_25 = arith.addf %get3A_19, %get3A_24 : vector<10000x128xf32>
    %mul3A = vector.broadcast %div3A_12 : vector<10000x1xf32> to vector<10000x128xf32>
    %mul3A_26 = arith.mulf %add3A_25, %mul3A : vector<10000x128xf32>
    %get3A_27 = arith.constant 0 : index
    %get3A_28 = arith.constant 0 : index
    %get3A_29 = vector.load %arg0[%get3A_27, %get3A_28] : memref<10000x128xf32, #tpu.memory_space<vmem>>, vector<10000x128xf32>
    %get3A_30 = arith.constant 0 : index
    %get3A_31 = arith.constant 0 : index
    %get3A_32 = vector.load %arg3[%get3A_30, %get3A_31] : memref<128x128xf32, #tpu.memory_space<vmem>>, vector<128x128xf32>
    %dot_general3A = arith.constant dense<0.000000e+00> : vector<10000x128xf32>
    %dot_general3A_33 = tpu.matmul %get3A_29, %get3A_32, %dot_general3A {dimension_numbers = #tpu.dot_dimension_numbers<[1], [0], [0], [1], [0, 0, 1, 1], [], []>, transpose_lhs_hint = false} : vector<10000x128xf32>, vector<128x128xf32>, vector<10000x128xf32> -> vector<10000x128xf32>
    %get3A_34 = arith.constant 0 : index
    %get3A_35 = arith.constant 0 : index
    %get3A_36 = vector.load %arg4[%get3A_34, %get3A_35] : memref<128x128xf32, #tpu.memory_space<vmem>>, vector<128x128xf32>
    %dot_general3A_37 = arith.constant dense<0.000000e+00> : vector<10000x128xf32>
    %dot_general3A_38 = tpu.matmul %mul3A_26, %get3A_36, %dot_general3A_37 {dimension_numbers = #tpu.dot_dimension_numbers<[1], [0], [0], [1], [0, 0, 1, 1], [], []>, transpose_lhs_hint = false} : vector<10000x128xf32>, vector<128x128xf32>, vector<10000x128xf32> -> vector<10000x128xf32>
    %add3A_39 = arith.addf %dot_general3A_33, %dot_general3A_38 : vector<10000x128xf32>
    %get3A_40 = arith.constant 0 : index
    %get3A_41 = arith.constant 0 : index
    %get3A_42 = vector.load %arg5[%get3A_40, %get3A_41] : memref<1x128xf32, #tpu.memory_space<vmem>>, vector<1x128xf32>
    %add3A_43 = vector.broadcast %get3A_42 : vector<1x128xf32> to vector<10000x128xf32>
    %add3A_44 = arith.addf %add3A_39, %add3A_43 : vector<10000x128xf32>
    %reduce_sum3A = arith.constant dense<0.000000e+00> : vector<128xf32>
    %reduce_sum3A_45 = vector.multi_reduction <add>, %add3A_44, %reduce_sum3A [0] : vector<10000x128xf32> to vector<128xf32>
    %broadcast_in_dim3A = vector.shape_cast %reduce_sum3A_45 : vector<128xf32> to vector<1x128xf32>
    %div3A_46 = arith.constant 1.000000e+04 : f32
    %div3A_47 = vector.broadcast %div3A_46 : f32 to vector<1x128xf32>
    %div3A_48 = arith.divf %broadcast_in_dim3A, %div3A_47 : vector<1x128xf32>
    %sub3A = vector.broadcast %div3A_48 : vector<1x128xf32> to vector<10000x128xf32>
    %sub3A_49 = arith.subf %add3A_44, %sub3A : vector<10000x128xf32>
    %sub3A_50 = vector.broadcast %div3A_48 : vector<1x128xf32> to vector<10000x128xf32>
    %sub3A_51 = arith.subf %add3A_44, %sub3A_50 : vector<10000x128xf32>
    %mul3A_52 = arith.mulf %sub3A_49, %sub3A_51 : vector<10000x128xf32>
    %reduce_sum3A_53 = arith.constant dense<0.000000e+00> : vector<128xf32>
    %reduce_sum3A_54 = vector.multi_reduction <add>, %mul3A_52, %reduce_sum3A_53 [0] : vector<10000x128xf32> to vector<128xf32>
    %broadcast_in_dim3A_55 = vector.shape_cast %reduce_sum3A_54 : vector<128xf32> to vector<1x128xf32>
    %div3A_56 = arith.constant 1.000000e+04 : f32
    %div3A_57 = vector.broadcast %div3A_56 : f32 to vector<1x128xf32>
    %div3A_58 = arith.divf %broadcast_in_dim3A_55, %div3A_57 : vector<1x128xf32>
    %get3A_59 = arith.constant 0 : index
    %get3A_60 = arith.constant 0 : index
    %get3A_61 = vector.load %arg6[%get3A_59, %get3A_60] : memref<1x128xf32, #tpu.memory_space<vmem>>, vector<1x128xf32>
    %sub3A_62 = vector.broadcast %div3A_48 : vector<1x128xf32> to vector<10000x128xf32>
    %sub3A_63 = arith.subf %add3A_44, %sub3A_62 : vector<10000x128xf32>
    %mul3A_64 = vector.broadcast %get3A_61 : vector<1x128xf32> to vector<10000x128xf32>
    %mul3A_65 = arith.mulf %mul3A_64, %sub3A_63 : vector<10000x128xf32>
    %add3A_66 = arith.constant 9.99999974E-6 : f32
    %add3A_67 = vector.broadcast %add3A_66 : f32 to vector<1x128xf32>
    %add3A_68 = arith.addf %div3A_58, %add3A_67 : vector<1x128xf32>
    %rsqrt3A = math.rsqrt %add3A_68 : vector<1x128xf32>
    %mul3A_69 = vector.broadcast %rsqrt3A : vector<1x128xf32> to vector<10000x128xf32>
    %mul3A_70 = arith.mulf %mul3A_65, %mul3A_69 : vector<10000x128xf32>
    %get3A_71 = arith.constant 0 : index
    %get3A_72 = arith.constant 0 : index
    %get3A_73 = vector.load %arg7[%get3A_71, %get3A_72] : memref<1x128xf32, #tpu.memory_space<vmem>>, vector<1x128xf32>
    %add3A_74 = vector.broadcast %get3A_73 : vector<1x128xf32> to vector<10000x128xf32>
    %add3A_75 = arith.addf %mul3A_70, %add3A_74 : vector<10000x128xf32>
    %max3A_76 = arith.constant 0.000000e+00 : f32
    %max3A_77 = vector.broadcast %max3A_76 : f32 to vector<10000x128xf32>
    %max3A_78 = arith.maximumf %add3A_75, %max3A_77 : vector<10000x128xf32>
    %swap3A_79 = arith.constant 0 : index
    %swap3A_80 = arith.constant 0 : index
    %swap3A_81 = vector.load %arg8[%swap3A_79, %swap3A_80] : memref<10000x128xf32, #tpu.memory_space<vmem>>, vector<10000x128xf32>
    tpu.vector_store %arg8[%swap3A_79, %swap3A_80], %max3A_78 {strides = array<i32>} : memref<10000x128xf32, #tpu.memory_space<vmem>>, vector<10000x128xf32>,
    return
  }
}

module attributes {stable_mosaic.version = 14 : i64} {
  func.func @_tc_mid_body(%arg0: memref<10000x128xf32, #tpu.memory_space<vmem>>, %arg1: memref<2x10112x128xf32, #tpu.memory_space<vmem>>, %arg2: memref<10000x1xf32, #tpu.memory_space<vmem>>, %arg3: memref<128x128xf32, #tpu.memory_space<vmem>>, %arg4: memref<128x128xf32, #tpu.memory_space<vmem>>, %arg5: memref<1x128xf32, #tpu.memory_space<vmem>>, %arg6: memref<1x128xf32, #tpu.memory_space<vmem>>, %arg7: memref<1x128xf32, #tpu.memory_space<vmem>>, %arg8: memref<10000x128xf32, #tpu.memory_space<vmem>>) attributes {dimension_semantics = [], scalar_prefetch = 0 : i64, scratch_operands = 0 : i64, tpu.core_type = #tpu.core_type<tc>} {
    %get3A = arith.constant 0 : index
    %get3A_0 = arith.constant 0 : index
    %get3A_1 = arith.constant 0 : index
    %get3A_2 = vector.load %arg1[%get3A, %get3A_0, %get3A_1] : memref<2x10112x128xf32, #tpu.memory_space<vmem>>, vector<1x10000x128xf32>
    %get3A_3 = vector.shape_cast %get3A_2 : vector<1x10000x128xf32> to vector<10000x128xf32>
    %get3A_4 = arith.constant 1 : index
    %get3A_5 = arith.constant 0 : index
    %get3A_6 = arith.constant 0 : index
    %get3A_7 = vector.load %arg1[%get3A_4, %get3A_5, %get3A_6] : memref<2x10112x128xf32, #tpu.memory_space<vmem>>, vector<1x10000x128xf32>
    %get3A_8 = vector.shape_cast %get3A_7 : vector<1x10000x128xf32> to vector<10000x128xf32>
    %add3A = arith.addf %get3A_3, %get3A_8 : vector<10000x128xf32>
    %get3A_9 = arith.constant 0 : index
    %get3A_10 = arith.constant 0 : index
    %get3A_11 = vector.load %arg2[%get3A_9, %get3A_10] : memref<10000x1xf32, #tpu.memory_space<vmem>>, vector<10000x1xf32>
    %mul3A = vector.broadcast %get3A_11 : vector<10000x1xf32> to vector<10000x128xf32>
    %mul3A_12 = arith.mulf %add3A, %mul3A : vector<10000x128xf32>
    %get3A_13 = arith.constant 0 : index
    %get3A_14 = arith.constant 0 : index
    %get3A_15 = vector.load %arg0[%get3A_13, %get3A_14] : memref<10000x128xf32, #tpu.memory_space<vmem>>, vector<10000x128xf32>
    %get3A_16 = arith.constant 0 : index
    %get3A_17 = arith.constant 0 : index
    %get3A_18 = vector.load %arg3[%get3A_16, %get3A_17] : memref<128x128xf32, #tpu.memory_space<vmem>>, vector<128x128xf32>
    %dot_general3A = arith.constant dense<0.000000e+00> : vector<10000x128xf32>
    %dot_general3A_19 = tpu.matmul %get3A_15, %get3A_18, %dot_general3A {dimension_numbers = #tpu.dot_dimension_numbers<[1], [0], [0], [1], [0, 0, 1, 1], [], []>, transpose_lhs_hint = false} : vector<10000x128xf32>, vector<128x128xf32>, vector<10000x128xf32> -> vector<10000x128xf32>
    %get3A_20 = arith.constant 0 : index
    %get3A_21 = arith.constant 0 : index
    %get3A_22 = vector.load %arg4[%get3A_20, %get3A_21] : memref<128x128xf32, #tpu.memory_space<vmem>>, vector<128x128xf32>
    %dot_general3A_23 = arith.constant dense<0.000000e+00> : vector<10000x128xf32>
    %dot_general3A_24 = tpu.matmul %mul3A_12, %get3A_22, %dot_general3A_23 {dimension_numbers = #tpu.dot_dimension_numbers<[1], [0], [0], [1], [0, 0, 1, 1], [], []>, transpose_lhs_hint = false} : vector<10000x128xf32>, vector<128x128xf32>, vector<10000x128xf32> -> vector<10000x128xf32>
    %add3A_25 = arith.addf %dot_general3A_19, %dot_general3A_24 : vector<10000x128xf32>
    %get3A_26 = arith.constant 0 : index
    %get3A_27 = arith.constant 0 : index
    %get3A_28 = vector.load %arg5[%get3A_26, %get3A_27] : memref<1x128xf32, #tpu.memory_space<vmem>>, vector<1x128xf32>
    %add3A_29 = vector.broadcast %get3A_28 : vector<1x128xf32> to vector<10000x128xf32>
    %add3A_30 = arith.addf %add3A_25, %add3A_29 : vector<10000x128xf32>
    %reduce_sum3A = arith.constant dense<0.000000e+00> : vector<128xf32>
    %reduce_sum3A_31 = vector.multi_reduction <add>, %add3A_30, %reduce_sum3A [0] : vector<10000x128xf32> to vector<128xf32>
    %broadcast_in_dim3A = vector.shape_cast %reduce_sum3A_31 : vector<128xf32> to vector<1x128xf32>
    %div3A = arith.constant 1.000000e+04 : f32
    %div3A_32 = vector.broadcast %div3A : f32 to vector<1x128xf32>
    %div3A_33 = arith.divf %broadcast_in_dim3A, %div3A_32 : vector<1x128xf32>
    %sub3A = vector.broadcast %div3A_33 : vector<1x128xf32> to vector<10000x128xf32>
    %sub3A_34 = arith.subf %add3A_30, %sub3A : vector<10000x128xf32>
    %sub3A_35 = vector.broadcast %div3A_33 : vector<1x128xf32> to vector<10000x128xf32>
    %sub3A_36 = arith.subf %add3A_30, %sub3A_35 : vector<10000x128xf32>
    %mul3A_37 = arith.mulf %sub3A_34, %sub3A_36 : vector<10000x128xf32>
    %reduce_sum3A_38 = arith.constant dense<0.000000e+00> : vector<128xf32>
    %reduce_sum3A_39 = vector.multi_reduction <add>, %mul3A_37, %reduce_sum3A_38 [0] : vector<10000x128xf32> to vector<128xf32>
    %broadcast_in_dim3A_40 = vector.shape_cast %reduce_sum3A_39 : vector<128xf32> to vector<1x128xf32>
    %div3A_41 = arith.constant 1.000000e+04 : f32
    %div3A_42 = vector.broadcast %div3A_41 : f32 to vector<1x128xf32>
    %div3A_43 = arith.divf %broadcast_in_dim3A_40, %div3A_42 : vector<1x128xf32>
    %get3A_44 = arith.constant 0 : index
    %get3A_45 = arith.constant 0 : index
    %get3A_46 = vector.load %arg6[%get3A_44, %get3A_45] : memref<1x128xf32, #tpu.memory_space<vmem>>, vector<1x128xf32>
    %sub3A_47 = vector.broadcast %div3A_33 : vector<1x128xf32> to vector<10000x128xf32>
    %sub3A_48 = arith.subf %add3A_30, %sub3A_47 : vector<10000x128xf32>
    %mul3A_49 = vector.broadcast %get3A_46 : vector<1x128xf32> to vector<10000x128xf32>
    %mul3A_50 = arith.mulf %mul3A_49, %sub3A_48 : vector<10000x128xf32>
    %add3A_51 = arith.constant 9.99999974E-6 : f32
    %add3A_52 = vector.broadcast %add3A_51 : f32 to vector<1x128xf32>
    %add3A_53 = arith.addf %div3A_43, %add3A_52 : vector<1x128xf32>
    %rsqrt3A = math.rsqrt %add3A_53 : vector<1x128xf32>
    %mul3A_54 = vector.broadcast %rsqrt3A : vector<1x128xf32> to vector<10000x128xf32>
    %mul3A_55 = arith.mulf %mul3A_50, %mul3A_54 : vector<10000x128xf32>
    %get3A_56 = arith.constant 0 : index
    %get3A_57 = arith.constant 0 : index
    %get3A_58 = vector.load %arg7[%get3A_56, %get3A_57] : memref<1x128xf32, #tpu.memory_space<vmem>>, vector<1x128xf32>
    %add3A_59 = vector.broadcast %get3A_58 : vector<1x128xf32> to vector<10000x128xf32>
    %add3A_60 = arith.addf %mul3A_55, %add3A_59 : vector<10000x128xf32>
    %max3A = arith.constant 0.000000e+00 : f32
    %max3A_61 = vector.broadcast %max3A : f32 to vector<10000x128xf32>
    %max3A_62 = arith.maximumf %add3A_60, %max3A_61 : vector<10000x128xf32>
    %swap3A = arith.constant 0 : index
    %swap3A_63 = arith.constant 0 : index
    %swap3A_64 = vector.load %arg8[%swap3A, %swap3A_63] : memref<10000x128xf32, #tpu.memory_space<vmem>>, vector<10000x128xf32>
    tpu.vector_store %arg8[%swap3A, %swap3A_63], %max3A_62 {strides = array<i32>} : memref<10000x128xf32, #tpu.memory_space<vmem>>, vector<10000x128xf32>,
    return
  }
}

module attributes {stable_mosaic.version = 14 : i64} {
  func.func @_tc_last_body(%arg0: memref<10000x128xf32, #tpu.memory_space<vmem>>, %arg1: memref<2x10112x128xf32, #tpu.memory_space<vmem>>, %arg2: memref<10000x1xf32, #tpu.memory_space<vmem>>, %arg3: memref<128x128xf32, #tpu.memory_space<vmem>>, %arg4: memref<128x128xf32, #tpu.memory_space<vmem>>, %arg5: memref<1x128xf32, #tpu.memory_space<vmem>>, %arg6: memref<10000x128xf32, #tpu.memory_space<vmem>>) attributes {dimension_semantics = [], scalar_prefetch = 0 : i64, scratch_operands = 0 : i64, tpu.core_type = #tpu.core_type<tc>} {
    %get3A = arith.constant 0 : index
    %get3A_0 = arith.constant 0 : index
    %get3A_1 = arith.constant 0 : index
    %get3A_2 = vector.load %arg1[%get3A, %get3A_0, %get3A_1] : memref<2x10112x128xf32, #tpu.memory_space<vmem>>, vector<1x10000x128xf32>
    %get3A_3 = vector.shape_cast %get3A_2 : vector<1x10000x128xf32> to vector<10000x128xf32>
    %get3A_4 = arith.constant 1 : index
    %get3A_5 = arith.constant 0 : index
    %get3A_6 = arith.constant 0 : index
    %get3A_7 = vector.load %arg1[%get3A_4, %get3A_5, %get3A_6] : memref<2x10112x128xf32, #tpu.memory_space<vmem>>, vector<1x10000x128xf32>
    %get3A_8 = vector.shape_cast %get3A_7 : vector<1x10000x128xf32> to vector<10000x128xf32>
    %add3A = arith.addf %get3A_3, %get3A_8 : vector<10000x128xf32>
    %get3A_9 = arith.constant 0 : index
    %get3A_10 = arith.constant 0 : index
    %get3A_11 = vector.load %arg2[%get3A_9, %get3A_10] : memref<10000x1xf32, #tpu.memory_space<vmem>>, vector<10000x1xf32>
    %mul3A = vector.broadcast %get3A_11 : vector<10000x1xf32> to vector<10000x128xf32>
    %mul3A_12 = arith.mulf %add3A, %mul3A : vector<10000x128xf32>
    %get3A_13 = arith.constant 0 : index
    %get3A_14 = arith.constant 0 : index
    %get3A_15 = vector.load %arg0[%get3A_13, %get3A_14] : memref<10000x128xf32, #tpu.memory_space<vmem>>, vector<10000x128xf32>
    %get3A_16 = arith.constant 0 : index
    %get3A_17 = arith.constant 0 : index
    %get3A_18 = vector.load %arg3[%get3A_16, %get3A_17] : memref<128x128xf32, #tpu.memory_space<vmem>>, vector<128x128xf32>
    %dot_general3A = arith.constant dense<0.000000e+00> : vector<10000x128xf32>
    %dot_general3A_19 = tpu.matmul %get3A_15, %get3A_18, %dot_general3A {dimension_numbers = #tpu.dot_dimension_numbers<[1], [0], [0], [1], [0, 0, 1, 1], [], []>, transpose_lhs_hint = false} : vector<10000x128xf32>, vector<128x128xf32>, vector<10000x128xf32> -> vector<10000x128xf32>
    %get3A_20 = arith.constant 0 : index
    %get3A_21 = arith.constant 0 : index
    %get3A_22 = vector.load %arg4[%get3A_20, %get3A_21] : memref<128x128xf32, #tpu.memory_space<vmem>>, vector<128x128xf32>
    %dot_general3A_23 = arith.constant dense<0.000000e+00> : vector<10000x128xf32>
    %dot_general3A_24 = tpu.matmul %mul3A_12, %get3A_22, %dot_general3A_23 {dimension_numbers = #tpu.dot_dimension_numbers<[1], [0], [0], [1], [0, 0, 1, 1], [], []>, transpose_lhs_hint = false} : vector<10000x128xf32>, vector<128x128xf32>, vector<10000x128xf32> -> vector<10000x128xf32>
    %add3A_25 = arith.addf %dot_general3A_19, %dot_general3A_24 : vector<10000x128xf32>
    %get3A_26 = arith.constant 0 : index
    %get3A_27 = arith.constant 0 : index
    %get3A_28 = vector.load %arg5[%get3A_26, %get3A_27] : memref<1x128xf32, #tpu.memory_space<vmem>>, vector<1x128xf32>
    %add3A_29 = vector.broadcast %get3A_28 : vector<1x128xf32> to vector<10000x128xf32>
    %add3A_30 = arith.addf %add3A_25, %add3A_29 : vector<10000x128xf32>
    %swap3A = arith.constant 0 : index
    %swap3A_31 = arith.constant 0 : index
    %swap3A_32 = vector.load %arg6[%swap3A, %swap3A_31] : memref<10000x128xf32, #tpu.memory_space<vmem>>, vector<10000x128xf32>
    tpu.vector_store %arg6[%swap3A, %swap3A_31], %add3A_30 {strides = array<i32>} : memref<10000x128xf32, #tpu.memory_space<vmem>>, vector<10000x128xf32>,
    return
  }
}

</mosaic_0001>

<sc_bundles>
// kernel: kernel.12.cloned.1.call-start
scs
__scs_entry_jumppad:
0x0: {  	(pc) =	sbr.rel $0x88, $3  }
0x1: {  	(tag) =	ssettag $0x0;
	lr =	simm.s32 $0x1  }
0x2: {  	[smem:$0x3F92] =	sst lr;
	_ =	strace $0xD0000000  }
0x3: {  	_ = 	snop  }
0x4: {  	_ = 	snop  }
0x5: {  	_ = 	snop  }
0x6: {  	_ = 	snop  }
0x7: {  	_ = 	snop  }
__scs_overlays_trampoline_lowered:
0x8: {  	[smem:$0x3FA1] =	sst s0  }
0x9: {  	[smem:$0x3FA2] =	sst s1  }
0xa: {  	[smem:$0x3FA3] =	sst s2  }
0xb: {  	[smem:$0x3FA4] =	sst s3  }
0xc: {  	[smem:$0x3FA5] =	sst s4  }
0xd: {  	[smem:$0x3FA6] =	sst s5  }
0xe: {  	[smem:$0x3FA7] =	sst s6  }
0xf: {  	[smem:$0x3FA8] =	sst s7  }
0x10: {  	[smem:$0x3FA9] =	sst s8  }
0x11: {  	[smem:$0x3FAA] =	sst s9;
	s0 =	simm.s32 @!p0 $0x0  }
0x12: {  	s1 =	sld [smem:$0x3F90];
	s0 =	simm.s32 @p0 $0x1  }
0x13: {  	[smem:$0x3FAB] =	sst s0;
	s0 =	simm.s32 @!p1 $0x0  }
0x14: {  	s2 =	sld [smem:$0x3F8F];
	s0 =	simm.s32 @p1 $0x1  }
0x15: {  	[smem:$0x3FAC] =	sst s0;
	s0 =	simm.s32 @!p2 $0x0  }
0x16: {  	s3 =	sld [smem:$0x3FDB];
	s0 =	simm.s32 @p2 $0x1  }
0x17: {  	s4 =	simm.s32 $0x1BF5;
	[smem:$0x3FAE] =	sst s0  }
0x18: {  	s0 =	sld [smem:$0x3F91];
	_ =	swait.ge [sflag:s4], $0x0  }
0x19: {  	s7 =	sld [smem:$0x3F92]  }
0x1a: {  	s8 =	sadd.s32 $0xFFFFE003, lr  }
0x1b: {  	s9 =	sadd.s32 $0xFFFFFEF7, lr;
	s5 =	simm.s32 $0xFFFFFFFF;
	p2 =	slt.u32 s8, $0xFFFFF086  }
0x1c: {  	p1 =	slt.u32 s9, $0xF7A;
	s5 =	simm.s32 @!p2 $0x0  }
0x1d: {  	s5 =	simm.s32 @p1 $0x1;
	p0 =	seq.s32 s7, s2  }
0x1e: {  	s7 =	smul.u32 @!p0 $0xF7A, s2;
	p2 =	seq.s32 @!p0 s5, $0x0  }
0x1f: {  	s9 =	smul.u32 $0xF7A, s1;
	s8 =	simm.s32 @!p0 $0x1BF5;
	p2 =	por !p2, p0  }
0x20: {  	[sflag:s8] =	ssyncset.s32 @!p0 $0xFFFFF086;
	s6 =	sadd.s32 @!p0 s3, s7;
	s7 =	simm.s32 @!p0 $0x108  }
0x21: {  	s3 =	sadd.s32 s3, s9;
	s6 =	sadd.s32 @!p0 $0x88, s6;
	s7 =	simm.s32 @p2 $0x1082  }
0x22: {  	[simem:s7], [sflag:s8] =	dma.local @!p0 [hbm:s6], $0xF7A  }
0x23: {  	s9 =	sor.u32 $0xD0000000, s2;
	s6 =	simm.s32 $0x108;
	_ =	swait.ge @!p0 [sflag:s8], $0x0  }
0x24: {  	s3 =	sadd.s32 $0x88, s3;
	s6 =	simm.s32 @!p1 $0x1082;
	[sflag:s4] =	ssyncset.s32 $0xFFFFF086  }
0x25: {  	[simem:s6], [sflag:s4] =	dma.local [hbm:s3], $0xF7A  }
0x26: {  	[smem:$0x3F92] =	sst s1;
	(tag) =	ssettag s2;
	_ =	strace s9  }
0x27: {  	s1 =	sld [smem:$0x3FA2]  }
0x28: {  	s2 =	sld [smem:$0x3FA3]  }
0x29: {  	s4 =	sld [smem:$0x3FA5]  }
0x2a: {  	p0 =	seq.s32 s5, $0x0;
	s5 =	sld [smem:$0x3FA6]  }
0x2b: {  	s6 =	sld [smem:$0x3FA7]  }
0x2c: {  	s7 =	sld [smem:$0x3FA8]  }
0x2d: {  	s3 =	simm.s32 $0x108;
	s8 =	sld [smem:$0x3FA9]  }
0x2e: {  	s3 =	simm.s32 @!p0 $0x1082;
	s9 =	sld [smem:$0x3FAA]  }
0x2f: {  	lr =	sadd.s32 s0, s3;
	s0 =	sld [smem:$0x3FA1]  }
0x30: {  	s3 =	sld [smem:$0x3FA4]  }
0x31: {  	[smem:$0x3FAD] =	sst s10  }
0x32: {  	s10 =	sld [smem:$0x3FAB];
	_ =	sdelay $0x3  }
0x33: {  	p0 =	seq.s32 s10, $0x1;
	s10 =	sld [smem:$0x3FAD];
	_ =	sdelay $0x3  }
0x34: {  	[smem:$0x3FAD] =	sst s10  }
0x35: {  	s10 =	sld [smem:$0x3FAC];
	_ =	sdelay $0x3  }
0x36: {  	p1 =	seq.s32 s10, $0x1;
	s10 =	sld [smem:$0x3FAD];
	_ =	sdelay $0x3  }
0x37: {  	[smem:$0x3FAD] =	sst s10  }
0x38: {  	s10 =	sld [smem:$0x3FAE]  }
0x39: {  	_ = 	snop;
	(pc) =	sbr.ind lr, $3  }
0x3a: {  	_ = 	snop  }
0x3b: {  	_ = 	snop  }
0x3c: {  	p2 =	seq.s32 s10, $0x1;
	s10 =	sld [smem:$0x3FAD]  }
0x3d: {  	_ =	shalt  }
0x3e: {  	_ =	shalt  }
0x3f: {  	_ =	shalt  }
0x40: {  	_ =	shalt  }
0x41: {  	_ =	shalt  }
0x42: {  	_ =	shalt  }
0x43: {  	_ =	shalt  }
0x44: {  	_ =	shalt  }
0x45: {  	_ =	shalt  }
0x46: {  	_ =	shalt  }
0x47: {  	_ =	shalt  }
0x48: {  	_ =	shalt  }
0x49: {  	_ =	shalt  }
0x4a: {  	_ =	shalt  }
0x4b: {  	_ =	shalt  }
0x4c: {  	_ =	shalt  }
0x4d: {  	_ =	shalt  }
0x4e: {  	_ =	shalt  }
0x4f: {  	_ =	shalt  }
0x50: {  	_ =	shalt  }
0x51: {  	_ =	shalt  }
0x52: {  	_ =	shalt  }
0x53: {  	_ =	shalt  }
0x54: {  	_ =	shalt  }
0x55: {  	_ =	shalt  }
0x56: {  	_ =	shalt  }
0x57: {  	_ =	shalt  }
0x58: {  	_ =	shalt  }
0x59: {  	_ =	shalt  }
0x5a: {  	_ =	shalt  }
0x5b: {  	_ =	shalt  }
0x5c: {  	_ =	shalt  }
0x5d: {  	_ =	shalt  }
0x5e: {  	_ =	shalt  }
0x5f: {  	_ =	shalt  }
0x60: {  	_ =	shalt  }
0x61: {  	_ =	shalt  }
0x62: {  	_ =	shalt  }
0x63: {  	_ =	shalt  }
0x64: {  	_ =	shalt  }
0x65: {  	_ =	shalt  }
0x66: {  	_ =	shalt  }
0x67: {  	_ =	shalt  }
0x68: {  	_ =	shalt  }
0x69: {  	_ =	shalt  }
0x6a: {  	_ =	shalt  }
0x6b: {  	_ =	shalt  }
0x6c: {  	_ =	shalt  }
0x6d: {  	_ =	shalt  }
0x6e: {  	_ =	shalt  }
0x6f: {  	_ =	shalt  }
0x70: {  	_ =	shalt  }
0x71: {  	_ =	shalt  }
0x72: {  	_ =	shalt  }
0x73: {  	_ =	shalt  }
0x74: {  	_ =	shalt  }
0x75: {  	_ =	shalt  }
0x76: {  	_ =	shalt  }
0x77: {  	_ =	shalt  }
0x78: {  	_ =	shalt  }
0x79: {  	_ =	shalt  }
0x7a: {  	_ =	shalt  }
0x7b: {  	_ =	shalt  }
0x7c: {  	_ =	shalt  }
0x7d: {  	_ =	shalt  }
0x7e: {  	_ =	shalt  }
0x7f: {  	_ =	shalt  }
0x80: {  	_ =	shalt  }
0x81: {  	_ =	shalt  }
0x82: {  	_ =	shalt  }
0x83: {  	_ =	shalt  }
0x84: {  	_ =	shalt  }
0x85: {  	_ =	shalt  }
0x86: {  	_ =	shalt  }
0x87: {  	_ =	shalt  }
.Lfunc_end0:
.L_simem_size_0:
called_computation.1_lowered:
.L_overlay_start_0:
0x88: {  	s2 =	sld [smem:$0x3FD9]  }
0x89: {  	s3 =	sld [smem:$0x3FFE];
	_ =	sdelay $0x1  }
0x8a: {  	s1 =	srdreg.scid  }
0x8b: {  	s0 =	sand.u32 $0x1, s1  }
0x8c: {  	s17 =	sshll.u32 s0, $0xA;
	s2 =	sadd.s32 s3, s2  }
0x8d: {  	s2 =	sadd.s32 s2, s17  }
0x8e: {  	[smem:$0x3FB9] =	sst s2  }
0x8f: {  	_ = 	snop  }
0x90: {  	s2 =	sld [smem:$0x3FC9];
	(tm) =	ssettm $0x1  }
0x91: {  	s18 =	sld [smem:$0x3FFB];
	_ =	sdelay $0x3  }
0x92: {  	_ =	strace s18  }
0x93: {  	s3 =	sld [smem:$0x3FFC];
	_ =	sdelay $0x3  }
0x94: {  	_ =	strace s3  }
0x95: {  	s3 =	sld [smem:$0x3FFD];
	_ =	sdelay $0x3  }
0x96: {  	_ =	strace s3  }
0x97: {  	_ =	strace $0x8FFFFFFF  }
0x98: {  	s19 =	sld [smem:$0x3FDB];
	_ =	sdelay $0x1  }
0x99: {  	s4 =	simm.s32 $_scs_section_size  }
0x9a: {  	s5 =	simm.s32 $_size__tile_overlayer_lowered;
	s6 =	simm.s32 $_tile_overlayer_lowered  }
0x9b: {  	s22 =	simm.s32 $0x1BFF;
	s21 =	sshll.u32 s6, $0x1;
	s3 =	sadd.s32 s4, s19  }
0x9c: {  	s7 =	simm.s32 $0x0;
	s20 =	sshll.u32 s5, $0x1;
	s5 =	sadd.s32 s21, s3  }
0x9d: {  	[timem:s7], [sflag:s22] =	dma.local [hbm:s5], s20  }
0x9e: {  	_ =	swait.ge [sflag:s22], s20  }
0x9f: {  	s4 =	ssub.s32 $0x0, s20;
	[sflag:s22] =	ssyncset.done $0x0  }
0xa0: {  	[sflag:s22] =	ssyncadd.s32 s4;
	_ =	sdelay $0x1  }
0xa1: {  	s23 =	simm.s32 $0x1B8B  }
0xa2: {  	_ =	swait.ge [sflag:s23], $0x1  }
0xa3: {  	[sflag:s23] =	ssyncset.done $0x0  }
0xa4: {  	s25 =	simm.s32 $0x1B8E;
	s24 =	sld [smem:$0x3FFE];
	[sflag:s23] =	ssyncadd.s32 $0xFFFFFFFF  }
0xa5: {  	s26 =	simm.s32 $execute0_lowered;
	[smem:$0x3FD2] =	sst s25  }
0xa6: {  	s5 =	sshll.u32 s26, $0x1;
	_ =	strace $0x80000046;
	[dreg:$0x1] =	wrdreg $0xFFFFFFFF  }
0xa7: {  	s28 =	simm.s32 $_size_execute0_lowered;
	s3 =	sadd.s32 s3, s5;
	[dreg:$0x0] =	wrdreg $0x0  }
0xa8: {  	s5 =	sshll.u32 s28, $0x1;
	[dreg:$0x2] =	wrdreg s3  }
0xa9: {  	[dreg:$0x3] =	wrdreg s5  }
0xaa: {  	[dreg:$0x4] =	wrdreg $0xC0  }
0xab: {  	_ =	task [dreg:s7], $0x5FFFF  }
0xac: {  	[dreg:$0x1] =	wrdreg $0xFFFFFFFF  }
0xad: {  	[dreg:$0x0] =	wrdreg $0x60  }
0xae: {  	[dreg:$0x2] =	wrdreg s2  }
0xaf: {  	[dreg:$0x3] =	wrdreg s24  }
0xb0: {  	[dreg:$0x4] =	wrdreg $0x52000  }
0xb1: {  	[dreg:$0x5] =	wrdreg $0xA  }
0xb2: {  	_ =	task.clear_ibuf [dreg:s7], $0x6FFFF;
	_ =	strace $0x90000046  }
0xb3: {  	s29 =	simm.s32 $0xA;
	_ =	strace $0x80000048  }
0xb4: {  	_ =	swait.ge [sflag:s29], $0x1  }
0xb5: {  	[sflag:s29] =	ssyncadd.s32 $0xFFFFFFFF  }
0xb6: {  	_ =	strace $0x90000048  }
0xb7: {  	_ =	sfence  }
0xb8: {  	s30 =	sld [smem:$0x0];
	_ =	sdelay $0x2  }
0xb9: {  	s31 =	sshll.u32 s1, $0xD;
	s1 =	sshrl.u32 s1, $0x2  }
0xba: {  	s3 =	sand.u32 $0x4000, s31;
	s1 =	sadd.s32 s1, s30  }
0xbb: {  	s0 =	sor.u32 s3, s0;
	s1 =	sshll.u32 s1, $0x11  }
0xbc: {  	s0 =	sor.u32 s1, s0  }
0xbd: {  	s0 =	sadd.s32 $0x8F2B, s0  }
0xbe: {  	[sflag:s0] =	ssyncadd.remote.s32 $0x1  }
0xbf: {  	_ =	sfence.sel $0xFFFF  }
0xc0: {  	[dreg:$0x0] =	wrdreg $0xFFFFFFFF;
	(pc) =	sbr.abs _section_cstart, $3  }
0xc1: {  	[dreg:$0x1] =	wrdreg $0xFFFFFFFF  }
0xc2: {  	_ =	task.clear_ibuf [dreg:s7], $0x2FFFF;
	_ =	strace $0x9FFFFFFF  }
0xc3: {  	(tm) =	ssettm $0x7FFFFFFF  }
tec
execute0_lowered:
.L_overlay_start_1:
0x0: {  	(tag) =	ssettag $0x1  }
0x1: {  	s1 =	rddreg [dreg:$0x0]  }
0x2: {  	s0 =	rddreg [dreg:$0x1]  }
0x3: {  	s2 =	rddreg [dreg:$0x2];
	s3 =	srdreg.scid;
	s4 =	simm.s32 $0x0  }
0x4: {  	s11 =	stileid.u32;
	s28 =	simm.s32 $0x200;
	s29 =	simm.s32 $0x3  }
0x5: {  	s30 =	simm.s32 $0x2;
	s31 =	simm.s32 $0x2A00;
	s3 =	sand.u32 $0x1, s3  }
0x6: {  	[smem:$0x7FF] =	sst s4;
	s8 =	smul.u32 $0x13C00, s11;
	s5 =	sadd.s32 $0xD400, s0  }
0x7: {  	s6 =	sadd.s32 $0x3600, s0;
	s9 =	sadd.s32 $0x17200, s0;
	s18 =	smul.u32 $0x4F000, s11  }
0x8: {  	s17 =	sshll.u32 s11, $0x1;
	s20 =	smul.u32 $0x4E20, s11;
	s11 =	sshll.u32 s11, $0x6  }
0x9: {  	s7 =	smul.u32 $0x13C000, s3;
	_ =	strace $0x80000047;
	s19 =	ssub.s32 $0x2, s3  }
0xa: {  	[dreg:$0x4] =	wrdreg s9;
	s10 =	sshrl.u32 s19, $0x1;
	s9 =	sshrl.u32 s18, $0x2  }
0xb: {  	s7 =	sadd.s32 s8, s7;
	s8 =	sor.u32 s3, s17;
	s3 =	smul.u32 $0x2710, s3  }
0xc: {  	s9 =	sadd.s32 s9, s2;
	s7 =	sshrl.u32 s7, $0x3;
	s8 =	smul.u32 $0x2710, s8  }
0xd: {  	s0 =	sadd.s32 s7, s0;
	s7 =	ssub.s32 s19, s10;
	s3 =	sadd.s32 s3, s20  }
0xe: {  	s20 =	sshrl.u32 s9, $0x3;
	s15 =	sshrl.u32 s8, $0x3;
	s8 =	sor.u32 $0x1C05, s11  }
0xf: {  	s13 =	sadd.s32 $0x19A00, s0;
	s25 =	sadd.s32 $0xF0, s3;
	s14 =	smax.u32 s7, $0x1  }
0x10: {  	s19 =	sadd.s32 $0xA0, s3;
	s3 =	simm.s32 $0x0;
	s21 =	sadd.s32 s5, s15  }
0x11: {  	s12 =	sadd.s32 $0xA, s15;
	s22 =	sadd.s32 s6, s15;
	s26 =	sadd.s32 $0x4D8, s15  }
0x12: {  	s0 =	sshrl.u32 s25, $0x3;
	s25 =	simm.s32 $0x1;
	[dreg:$0x5] =	wrdreg s21  }
0x13: {  	[dreg:$0x6] =	wrdreg s22;
	s23 =	sadd.s32 s5, s12;
	s24 =	sadd.s32 s6, s12  }
0x14: {  	s15 =	sadd.s32 s5, s26;
	s16 =	sadd.s32 s6, s26;
	s17 =	sadd.s32 s0, s6  }
0x15: {  	s18 =	sadd.s32 s0, s5;
	s21 =	simm.s32 $0x5;
	s22 =	simm.s32 $0x80  }
0x16: {  	s26 =	simm.s32 $0x50;
	s0 =	simm.s32 $0x4;
	[dreg:$0x7] =	wrdreg s23  }
0x17: {  	[dreg:$0x8] =	wrdreg s24;
	s23 =	simm.s32 $0x100;
	s24 =	simm.s32 $0x180  }
.LBB2_1:
0x18: {  	s7 =	rddreg [dreg:$0x4]  }
0x19: {  	[spmem:s20], [sflag:s8] =	dma.local [hbm:s7], $0x2780  }
0x1a: {  	_ =	swait.ge [sflag:s21], $0x2780  }
0x1b: {  	[sflag:s21] =	ssyncset.done $0x0  }
0x1c: {  	[sflag:s21] =	ssyncadd.s32 $0xFFFFD880  }
0x1d: {  	[bflag:$0x0] =	sbarrier.arrive $0xFFFF  }
0x1e: {  	s11 =	rddreg [dreg:$0x5]  }
0x1f: {  	[tilespmem:s4], [sflag:$0x1] =	stream.linear.gather [hbm4b:s11+s4], $0x50, $0x38;
	[tilespmem:$0x18E00] =	vst v63  }
0x20: {  	s12 =	rddreg [dreg:$0x6]  }
0x21: {  	[tilespmem:s22], [sflag:$0x1] =	stream.linear.gather [hbm4b:s12+s4], $0x50, $0x38;
	[tilespmem:$0x18E00] =	vst v63  }
0x22: {  	s9 =	rddreg [dreg:$0x7]  }
0x23: {  	[tilespmem:s23], [sflag:$0x2] =	stream.linear.gather [hbm4b:s9+s4], $0x50, $0x38;
	[tilespmem:$0x18E00] =	vst v63  }
0x24: {  	s10 =	rddreg [dreg:$0x8]  }
0x25: {  	[tilespmem:s24], [sflag:$0x2] =	stream.linear.gather [hbm4b:s10+s4], $0x50, $0x38;
	[tilespmem:$0x18E00] =	vst v63  }
0x26: {  	_ =	swait.ge [sflag:s25], $0x50  }
0x27: {  	[sflag:s25] =	ssyncset.done $0x0  }
0x28: {  	[sflag:s25] =	ssyncadd.s32 $0xFFFFFFB0  }
0x29: {  	_ =	swait.ge [sflag:s25], $0x50  }
0x2a: {  	[sflag:s25] =	ssyncset.done $0x0  }
0x2b: {  	[sflag:s25] =	ssyncadd.s32 $0xFFFFFFB0  }
0x2c: {  	[tilespmem:s28], [sflag:$0x3] =	stream.indirect.gather [hbm4b:s1+s26], $0x80, s4, s26, $0xb8;
	[tilespmem:$0x18E00] =	vst v63  }
0x2d: {  	_ =	swait.ge [sflag:s29], $0x2800  }
0x2e: {  	[sflag:s29] =	ssyncset.done $0x0  }
0x2f: {  	[sflag:s29] =	ssyncadd.s32 $0xFFFFD800  }
0x30: {  	_ =	swait.ge [sflag:s30], $0x50  }
0x31: {  	[sflag:s30] =	ssyncset.done $0x0  }
0x32: {  	[sflag:s30] =	ssyncadd.s32 $0xFFFFFFB0  }
0x33: {  	_ =	swait.ge [sflag:s30], $0x50  }
0x34: {  	[sflag:s30] =	ssyncset.done $0x0  }
0x35: {  	[sflag:s30] =	ssyncadd.s32 $0xFFFFFFB0  }
0x36: {  	[tilespmem:s31], [sflag:$0x4] =	stream.indirect.gather [hbm4b:s1+s26], $0x80, s23, s26, $0xb8;
	[tilespmem:$0x18E00] =	vst v63  }
0x37: {  	_ = 	snop  }
0x38: {  	[spmem:s2] =	stream.indirect.scatter.add.f32 [tilespmem:s28], [sflag:$0x5], $0x80, s22, s26, $0xb8;
	[tilespmem:$0x18E00] =	vst v63  }
0x39: {  	_ =	swait.ge [sflag:s21], $0x2800  }
0x3a: {  	s11 =	sshrl.u32 s19, $0x3;
	[sflag:s21] =	ssyncset.done $0x0  }
0x3b: {  	s9 =	sadd.s32 s5, s11;
	[sflag:s21] =	ssyncadd.s32 $0xFFFFD800  }
0x3c: {  	[tilespmem:s4], [sflag:$0x1] =	stream.linear.gather [hbm4b:s9+s4], $0x50, $0x38;
	[tilespmem:$0x18E00] =	vst v63  }
0x3d: {  	s7 =	sadd.s32 s6, s11  }
0x3e: {  	[tilespmem:s22], [sflag:$0x1] =	stream.linear.gather [hbm4b:s7+s4], $0x50, $0x38;
	[tilespmem:$0x18E00] =	vst v63  }
0x3f: {  	_ =	swait.ge [sflag:s0], $0x2800  }
0x40: {  	[sflag:s0] =	ssyncset.done $0x0  }
0x41: {  	[sflag:s0] =	ssyncadd.s32 $0xFFFFD800  }
0x42: {  	_ =	swait.ge [sflag:s25], $0x50  }
0x43: {  	[sflag:s25] =	ssyncset.done $0x0  }
0x44: {  	[sflag:s25] =	ssyncadd.s32 $0xFFFFFFB0  }
0x45: {  	_ =	swait.ge [sflag:s25], $0x50  }
0x46: {  	[sflag:s25] =	ssyncset.done $0x0  }
0x47: {  	[sflag:s25] =	ssyncadd.s32 $0xFFFFFFB0  }
0x48: {  	[tilespmem:s28], [sflag:$0x3] =	stream.indirect.gather [hbm4b:s1+s26], $0x80, s4, s26, $0xb8;
	[tilespmem:$0x18E00] =	vst v63  }
0x49: {  	_ = 	snop  }
0x4a: {  	[spmem:s2] =	stream.indirect.scatter.add.f32 [tilespmem:s31], [sflag:$0x5], $0x80, s24, s26, $0xb8;
	[tilespmem:$0x18E00] =	vst v63  }
0x4b: {  	_ =	swait.ge [sflag:s21], $0x2800  }
0x4c: {  	s12 =	sadd.s32 $0x0, s18;
	s10 =	sadd.s32 $0x0, s17;
	[sflag:s21] =	ssyncset.done $0x0  }
0x4d: {  	s9 =	sadd.s32 $0xA0, s19;
	s7 =	simm.s32 $0x14;
	[sflag:s21] =	ssyncadd.s32 $0xFFFFD800  }
0x4e: {  	[tilespmem:s23], [sflag:$0x2] =	stream.linear.gather [hbm4b:s12+s4], $0x50, $0x38;
	[tilespmem:$0x18E00] =	vst v63  }
.LBB2_2:
0x4f: {  	[tilespmem:s24], [sflag:$0x2] =	stream.linear.gather [hbm4b:s10+s4], $0x50, $0x38;
	[tilespmem:$0x18E00] =	vst v63  }
0x50: {  	s10 =	smov.u32 s7  }
0x51: {  	p0 =	sne.s32 s7, $0x4B0;
	s7 =	sadd.s32 $0x14, s7;
	_ =	swait.ge [sflag:s29], $0x2800  }
0x52: {  	[sflag:s29] =	ssyncset.done $0x0  }
0x53: {  	[sflag:s29] =	ssyncadd.s32 $0xFFFFD800  }
0x54: {  	_ =	swait.ge [sflag:s30], $0x50  }
0x55: {  	[sflag:s30] =	ssyncset.done $0x0  }
0x56: {  	[sflag:s30] =	ssyncadd.s32 $0xFFFFFFB0  }
0x57: {  	_ =	swait.ge [sflag:s30], $0x50  }
0x58: {  	[sflag:s30] =	ssyncset.done $0x0  }
0x59: {  	[sflag:s30] =	ssyncadd.s32 $0xFFFFFFB0  }
0x5a: {  	[tilespmem:s31], [sflag:$0x4] =	stream.indirect.gather [hbm4b:s1+s26], $0x80, s23, s26, $0xb8;
	[tilespmem:$0x18E00] =	vst v63  }
0x5b: {  	_ = 	snop  }
0x5c: {  	[spmem:s2] =	stream.indirect.scatter.add.f32 [tilespmem:s28], [sflag:$0x5], $0x80, s22, s26, $0xb8;
	[tilespmem:$0x18E00] =	vst v63  }
0x5d: {  	_ =	swait.ge [sflag:s21], $0x2800  }
0x5e: {  	s11 =	sshrl.u32 s9, $0x3;
	[sflag:s21] =	ssyncset.done $0x0  }
0x5f: {  	s12 =	sadd.s32 s5, s11;
	[sflag:s21] =	ssyncadd.s32 $0xFFFFD800  }
0x60: {  	[tilespmem:s4], [sflag:$0x1] =	stream.linear.gather [hbm4b:s12+s4], $0x50, $0x38;
	[tilespmem:$0x18E00] =	vst v63  }
0x61: {  	s11 =	sadd.s32 s6, s11  }
0x62: {  	[tilespmem:s22], [sflag:$0x1] =	stream.linear.gather [hbm4b:s11+s4], $0x50, $0x38;
	[tilespmem:$0x18E00] =	vst v63  }
0x63: {  	_ =	swait.ge [sflag:s0], $0x2800  }
0x64: {  	[sflag:s0] =	ssyncset.done $0x0  }
0x65: {  	[sflag:s0] =	ssyncadd.s32 $0xFFFFD800  }
0x66: {  	_ =	swait.ge [sflag:s25], $0x50  }
0x67: {  	[sflag:s25] =	ssyncset.done $0x0  }
0x68: {  	[sflag:s25] =	ssyncadd.s32 $0xFFFFFFB0  }
0x69: {  	_ =	swait.ge [sflag:s25], $0x50  }
0x6a: {  	[sflag:s25] =	ssyncset.done $0x0  }
0x6b: {  	[sflag:s25] =	ssyncadd.s32 $0xFFFFFFB0  }
0x6c: {  	[tilespmem:s28], [sflag:$0x3] =	stream.indirect.gather [hbm4b:s1+s26], $0x80, s4, s26, $0xb8;
	[tilespmem:$0x18E00] =	vst v63  }
0x6d: {  	_ = 	snop  }
0x6e: {  	[spmem:s2] =	stream.indirect.scatter.add.f32 [tilespmem:s31], [sflag:$0x5], $0x80, s24, s26, $0xb8;
	[tilespmem:$0x18E00] =	vst v63  }
.Ltmp0:
0x6f: {  	_ =	swait.ge [sflag:s21], $0x2800;
	(pc) =	sbr.rel @p0 .LBB2_2-.Ltmp0, $4  }
0x70: {  	[sflag:s21] =	ssyncset.done $0x0  }
0x71: {  	s11 =	sadd.s32 s10, s18;
	[sflag:s21] =	ssyncadd.s32 $0xFFFFD800  }
0x72: {  	[tilespmem:s23], [sflag:$0x2] =	stream.linear.gather [hbm4b:s11+s4], $0x50, $0x38;
	[tilespmem:$0x18E00] =	vst v63  }
0x73: {  	s9 =	sadd.s32 $0xA0, s9;
	s10 =	sadd.s32 s10, s17  }
0x74: {  	[tilespmem:s24], [sflag:$0x2] =	stream.linear.gather [hbm4b:s10+s4], $0x50, $0x38;
	[tilespmem:$0x18E00] =	vst v63  }
0x75: {  	_ =	swait.ge [sflag:s29], $0x2800  }
0x76: {  	[sflag:s29] =	ssyncset.done $0x0  }
0x77: {  	[sflag:s29] =	ssyncadd.s32 $0xFFFFD800  }
0x78: {  	_ =	swait.ge [sflag:s30], $0x50  }
0x79: {  	[sflag:s30] =	ssyncset.done $0x0  }
0x7a: {  	[sflag:s30] =	ssyncadd.s32 $0xFFFFFFB0  }
0x7b: {  	_ =	swait.ge [sflag:s30], $0x50  }
0x7c: {  	[sflag:s30] =	ssyncset.done $0x0  }
0x7d: {  	[sflag:s30] =	ssyncadd.s32 $0xFFFFFFB0  }
0x7e: {  	[tilespmem:s31], [sflag:$0x4] =	stream.indirect.gather [hbm4b:s1+s26], $0x80, s23, s26, $0xb8;
	[tilespmem:$0x18E00] =	vst v63  }
0x7f: {  	_ = 	snop  }
0x80: {  	[spmem:s2] =	stream.indirect.scatter.add.f32 [tilespmem:s28], [sflag:$0x5], $0x80, s22, s26, $0xb8;
	[tilespmem:$0x18E00] =	vst v63  }
0x81: {  	_ =	swait.ge [sflag:s21], $0x2800  }
0x82: {  	[sflag:s21] =	ssyncset.done $0x0  }
0x83: {  	[sflag:s21] =	ssyncadd.s32 $0xFFFFD800  }
0x84: {  	[tilespmem:s4], [sflag:$0x1] =	stream.linear.gather [hbm4b:s15+s4], $0x50, $0x38;
	[tilespmem:$0x18E00] =	vst v63  }
0x85: {  	_ = 	snop  }
0x86: {  	[tilespmem:s22], [sflag:$0x1] =	stream.linear.gather [hbm4b:s16+s4], $0x50, $0x38;
	[tilespmem:$0x18E00] =	vst v63  }
0x87: {  	_ =	swait.ge [sflag:s0], $0x2800  }
0x88: {  	[sflag:s0] =	ssyncset.done $0x0  }
0x89: {  	[sflag:s0] =	ssyncadd.s32 $0xFFFFD800  }
0x8a: {  	_ =	swait.ge [sflag:s25], $0x50  }
0x8b: {  	[sflag:s25] =	ssyncset.done $0x0  }
0x8c: {  	[sflag:s25] =	ssyncadd.s32 $0xFFFFFFB0  }
0x8d: {  	_ =	swait.ge [sflag:s25], $0x50  }
0x8e: {  	[sflag:s25] =	ssyncset.done $0x0  }
0x8f: {  	[sflag:s25] =	ssyncadd.s32 $0xFFFFFFB0  }
0x90: {  	[tilespmem:s28], [sflag:$0x3] =	stream.indirect.gather [hbm4b:s1+s26], $0x80, s4, s26, $0xb8;
	[tilespmem:$0x18E00] =	vst v63  }
0x91: {  	_ = 	snop  }
0x92: {  	[spmem:s2] =	stream.indirect.scatter.add.f32 [tilespmem:s31], [sflag:$0x5], $0x80, s24, s26, $0xb8;
	[tilespmem:$0x18E00] =	vst v63  }
0x93: {  	_ =	swait.ge [sflag:s21], $0x2800  }
0x94: {  	[sflag:s21] =	ssyncset.done $0x0  }
0x95: {  	[sflag:s21] =	ssyncadd.s32 $0xFFFFD800  }
0x96: {  	_ =	swait.ge [sflag:s29], $0x2800  }
0x97: {  	[sflag:s29] =	ssyncset.done $0x0  }
0x98: {  	[sflag:s29] =	ssyncadd.s32 $0xFFFFD800  }
0x99: {  	[spmem:s2] =	stream.indirect.scatter.add.f32 [tilespmem:s28], [sflag:$0x5], $0x80, s22, s26, $0xb8;
	[tilespmem:$0x18E00] =	vst v63  }
0x9a: {  	_ =	swait.ge [sflag:s21], $0x2800  }
0x9b: {  	s3 =	sadd.s32 $0x1, s3;
	[sflag:s21] =	ssyncset.done $0x0  }
0x9c: {  	p0 =	sne.s32 s3, s14;
	[sflag:s21] =	ssyncadd.s32 $0xFFFFD800  }
.Ltmp1:
0x9d: {  	[bflag:$0x0] =	sbarrier.arrive $0xFFFF;
	(pc) =	sbr.rel @p0 .LBB2_1-.Ltmp1, $4  }
0x9e: {  	[hbm:s13], [sflag:s8] =	dma.local [spmem:s20], $0x2780  }
0x9f: {  	_ =	swait.ge [sflag:s21], $0x2780  }
0xa0: {  	[sflag:s21] =	ssyncset.done $0x0  }
0xa1: {  	[sflag:s21] =	ssyncadd.s32 $0xFFFFD880  }
0xa2: {  	_ =	sfence.sel $0x180000  }
0xa3: {  	[bflag:$0x0] =	sbarrier.arrive $0xFFFF  }
0xa4: {  	_ =	strace $0x90000047  }
0xa5: {  	s0 =	stileid.u32;
	[bflag:$0x2] =	sbarrier.arrive $0xFFFF  }
0xa6: {  	p0 =	sne.s32 s0, $0x0;
	s0 =	rddreg [dreg:$0x3]  }
0xa7: {  	s0 =	sadd.s32 @!p0 $0x100000, s0  }
0xa8: {  	[sflag:s0] =	ssyncadd.tile.s32 @!p0 $0x1;
	_ =	shalt  }
.Lfunc_end2:
_tile_overlayer_lowered:
.L_overlay_start_2:
0xa9: {  	(tag) =	ssettag $0x2  }
0xaa: {  	s0 =	rddreg [dreg:$0x0];
	s2 =	stileid.u32  }
0xab: {  	s1 =	rddreg [dreg:$0x1];
	p0 =	sne.s32 s2, $0x0  }
0xac: {  	s3 =	rddreg [dreg:$0x2];
	[bflag:$0x3] =	sbarrier.arrive $0xFFFF;
	s2 =	simm.s32 @!p0 $0x1C05  }
0xad: {  	[timem:s3], [sflag:s2] =	dma.local @!p0 [hbm:s0], s1  }
0xae: {  	s0 =	simm.s32 @!p0 $0x5  }
0xaf: {  	_ =	swait.ge @!p0 [sflag:s0], s1  }
0xb0: {  	s1 =	ssub.s32 @!p0 $0x0, s1;
	[sflag:s0] =	ssyncset.done @!p0 $0x0  }
0xb1: {  	[sflag:s0] =	ssyncadd.s32 @!p0 s1  }
0xb2: {  	[bflag:$0x3] =	sbarrier.arrive $0xFFFF  }
0xb3: {  	_ =	shalt  }

// kernel: kernel.15.cloned.1.call-start
scs
__scs_entry_jumppad:
0x0: {  	(pc) =	sbr.rel $0x88, $3  }
0x1: {  	(tag) =	ssettag $0x0;
	lr =	simm.s32 $0x1  }
0x2: {  	[smem:$0x3F92] =	sst lr;
	_ =	strace $0xD0000000  }
0x3: {  	_ = 	snop  }
0x4: {  	_ = 	snop  }
0x5: {  	_ = 	snop  }
0x6: {  	_ = 	snop  }
0x7: {  	_ = 	snop  }
__scs_overlays_trampoline_lowered:
0x8: {  	[smem:$0x3FA1] =	sst s0  }
0x9: {  	[smem:$0x3FA2] =	sst s1  }
0xa: {  	[smem:$0x3FA3] =	sst s2  }
0xb: {  	[smem:$0x3FA4] =	sst s3  }
0xc: {  	[smem:$0x3FA5] =	sst s4  }
0xd: {  	[smem:$0x3FA6] =	sst s5  }
0xe: {  	[smem:$0x3FA7] =	sst s6  }
0xf: {  	[smem:$0x3FA8] =	sst s7  }
0x10: {  	[smem:$0x3FA9] =	sst s8  }
0x11: {  	[smem:$0x3FAA] =	sst s9;
	s0 =	simm.s32 @!p0 $0x0  }
0x12: {  	s1 =	sld [smem:$0x3F90];
	s0 =	simm.s32 @p0 $0x1  }
0x13: {  	[smem:$0x3FAB] =	sst s0;
	s0 =	simm.s32 @!p1 $0x0  }
0x14: {  	s2 =	sld [smem:$0x3F8F];
	s0 =	simm.s32 @p1 $0x1  }
0x15: {  	[smem:$0x3FAC] =	sst s0;
	s0 =	simm.s32 @!p2 $0x0  }
0x16: {  	s3 =	sld [smem:$0x3FDB];
	s0 =	simm.s32 @p2 $0x1  }
0x17: {  	s4 =	simm.s32 $0x1BF5;
	[smem:$0x3FAE] =	sst s0  }
0x18: {  	s0 =	sld [smem:$0x3F91];
	_ =	swait.ge [sflag:s4], $0x0  }
0x19: {  	s7 =	sld [smem:$0x3F92]  }
0x1a: {  	s8 =	sadd.s32 $0xFFFFE003, lr  }
0x1b: {  	s9 =	sadd.s32 $0xFFFFFEF7, lr;
	s5 =	simm.s32 $0xFFFFFFFF;
	p2 =	slt.u32 s8, $0xFFFFF086  }
0x1c: {  	p1 =	slt.u32 s9, $0xF7A;
	s5 =	simm.s32 @!p2 $0x0  }
0x1d: {  	s5 =	simm.s32 @p1 $0x1;
	p0 =	seq.s32 s7, s2  }
0x1e: {  	s7 =	smul.u32 @!p0 $0xF7A, s2;
	p2 =	seq.s32 @!p0 s5, $0x0  }
0x1f: {  	s9 =	smul.u32 $0xF7A, s1;
	s8 =	simm.s32 @!p0 $0x1BF5;
	p2 =	por !p2, p0  }
0x20: {  	[sflag:s8] =	ssyncset.s32 @!p0 $0xFFFFF086;
	s6 =	sadd.s32 @!p0 s3, s7;
	s7 =	simm.s32 @!p0 $0x108  }
0x21: {  	s3 =	sadd.s32 s3, s9;
	s6 =	sadd.s32 @!p0 $0x88, s6;
	s7 =	simm.s32 @p2 $0x1082  }
0x22: {  	[simem:s7], [sflag:s8] =	dma.local @!p0 [hbm:s6], $0xF7A  }
0x23: {  	s9 =	sor.u32 $0xD0000000, s2;
	s6 =	simm.s32 $0x108;
	_ =	swait.ge @!p0 [sflag:s8], $0x0  }
0x24: {  	s3 =	sadd.s32 $0x88, s3;
	s6 =	simm.s32 @!p1 $0x1082;
	[sflag:s4] =	ssyncset.s32 $0xFFFFF086  }
0x25: {  	[simem:s6], [sflag:s4] =	dma.local [hbm:s3], $0xF7A  }
0x26: {  	[smem:$0x3F92] =	sst s1;
	(tag) =	ssettag s2;
	_ =	strace s9  }
0x27: {  	s1 =	sld [smem:$0x3FA2]  }
0x28: {  	s2 =	sld [smem:$0x3FA3]  }
0x29: {  	s4 =	sld [smem:$0x3FA5]  }
0x2a: {  	p0 =	seq.s32 s5, $0x0;
	s5 =	sld [smem:$0x3FA6]  }
0x2b: {  	s6 =	sld [smem:$0x3FA7]  }
0x2c: {  	s7 =	sld [smem:$0x3FA8]  }
0x2d: {  	s3 =	simm.s32 $0x108;
	s8 =	sld [smem:$0x3FA9]  }
0x2e: {  	s3 =	simm.s32 @!p0 $0x1082;
	s9 =	sld [smem:$0x3FAA]  }
0x2f: {  	lr =	sadd.s32 s0, s3;
	s0 =	sld [smem:$0x3FA1]  }
0x30: {  	s3 =	sld [smem:$0x3FA4]  }
0x31: {  	[smem:$0x3FAD] =	sst s10  }
0x32: {  	s10 =	sld [smem:$0x3FAB];
	_ =	sdelay $0x3  }
0x33: {  	p0 =	seq.s32 s10, $0x1;
	s10 =	sld [smem:$0x3FAD];
	_ =	sdelay $0x3  }
0x34: {  	[smem:$0x3FAD] =	sst s10  }
0x35: {  	s10 =	sld [smem:$0x3FAC];
	_ =	sdelay $0x3  }
0x36: {  	p1 =	seq.s32 s10, $0x1;
	s10 =	sld [smem:$0x3FAD];
	_ =	sdelay $0x3  }
0x37: {  	[smem:$0x3FAD] =	sst s10  }
0x38: {  	s10 =	sld [smem:$0x3FAE]  }
0x39: {  	_ = 	snop;
	(pc) =	sbr.ind lr, $3  }
0x3a: {  	_ = 	snop  }
0x3b: {  	_ = 	snop  }
0x3c: {  	p2 =	seq.s32 s10, $0x1;
	s10 =	sld [smem:$0x3FAD]  }
0x3d: {  	_ =	shalt  }
0x3e: {  	_ =	shalt  }
0x3f: {  	_ =	shalt  }
0x40: {  	_ =	shalt  }
0x41: {  	_ =	shalt  }
0x42: {  	_ =	shalt  }
0x43: {  	_ =	shalt  }
0x44: {  	_ =	shalt  }
0x45: {  	_ =	shalt  }
0x46: {  	_ =	shalt  }
0x47: {  	_ =	shalt  }
0x48: {  	_ =	shalt  }
0x49: {  	_ =	shalt  }
0x4a: {  	_ =	shalt  }
0x4b: {  	_ =	shalt  }
0x4c: {  	_ =	shalt  }
0x4d: {  	_ =	shalt  }
0x4e: {  	_ =	shalt  }
0x4f: {  	_ =	shalt  }
0x50: {  	_ =	shalt  }
0x51: {  	_ =	shalt  }
0x52: {  	_ =	shalt  }
0x53: {  	_ =	shalt  }
0x54: {  	_ =	shalt  }
0x55: {  	_ =	shalt  }
0x56: {  	_ =	shalt  }
0x57: {  	_ =	shalt  }
0x58: {  	_ =	shalt  }
0x59: {  	_ =	shalt  }
0x5a: {  	_ =	shalt  }
0x5b: {  	_ =	shalt  }
0x5c: {  	_ =	shalt  }
0x5d: {  	_ =	shalt  }
0x5e: {  	_ =	shalt  }
0x5f: {  	_ =	shalt  }
0x60: {  	_ =	shalt  }
0x61: {  	_ =	shalt  }
0x62: {  	_ =	shalt  }
0x63: {  	_ =	shalt  }
0x64: {  	_ =	shalt  }
0x65: {  	_ =	shalt  }
0x66: {  	_ =	shalt  }
0x67: {  	_ =	shalt  }
0x68: {  	_ =	shalt  }
0x69: {  	_ =	shalt  }
0x6a: {  	_ =	shalt  }
0x6b: {  	_ =	shalt  }
0x6c: {  	_ =	shalt  }
0x6d: {  	_ =	shalt  }
0x6e: {  	_ =	shalt  }
0x6f: {  	_ =	shalt  }
0x70: {  	_ =	shalt  }
0x71: {  	_ =	shalt  }
0x72: {  	_ =	shalt  }
0x73: {  	_ =	shalt  }
0x74: {  	_ =	shalt  }
0x75: {  	_ =	shalt  }
0x76: {  	_ =	shalt  }
0x77: {  	_ =	shalt  }
0x78: {  	_ =	shalt  }
0x79: {  	_ =	shalt  }
0x7a: {  	_ =	shalt  }
0x7b: {  	_ =	shalt  }
0x7c: {  	_ =	shalt  }
0x7d: {  	_ =	shalt  }
0x7e: {  	_ =	shalt  }
0x7f: {  	_ =	shalt  }
0x80: {  	_ =	shalt  }
0x81: {  	_ =	shalt  }
0x82: {  	_ =	shalt  }
0x83: {  	_ =	shalt  }
0x84: {  	_ =	shalt  }
0x85: {  	_ =	shalt  }
0x86: {  	_ =	shalt  }
0x87: {  	_ =	shalt  }
.Lfunc_end0:
.L_simem_size_0:
called_computation.2_lowered:
.L_overlay_start_0:
0x88: {  	s2 =	sld [smem:$0x3FD9]  }
0x89: {  	s3 =	sld [smem:$0x3FFE];
	_ =	sdelay $0x1  }
0x8a: {  	s1 =	srdreg.scid  }
0x8b: {  	s0 =	sand.u32 $0x1, s1  }
0x8c: {  	s17 =	sshll.u32 s0, $0xA;
	s2 =	sadd.s32 s3, s2  }
0x8d: {  	s2 =	sadd.s32 s2, s17  }
0x8e: {  	[smem:$0x3FB9] =	sst s2  }
0x8f: {  	_ = 	snop  }
0x90: {  	s2 =	sld [smem:$0x3FD0];
	(tm) =	ssettm $0x1  }
0x91: {  	s18 =	sld [smem:$0x3FFB];
	_ =	sdelay $0x3  }
0x92: {  	_ =	strace s18  }
0x93: {  	s3 =	sld [smem:$0x3FFC];
	_ =	sdelay $0x3  }
0x94: {  	_ =	strace s3  }
0x95: {  	s3 =	sld [smem:$0x3FFD];
	_ =	sdelay $0x3  }
0x96: {  	_ =	strace s3  }
0x97: {  	_ =	strace $0x8FFFFFFF  }
0x98: {  	s19 =	sld [smem:$0x3FDB];
	_ =	sdelay $0x1  }
0x99: {  	s4 =	simm.s32 $_scs_section_size  }
0x9a: {  	s5 =	simm.s32 $_size__tile_overlayer_lowered;
	s6 =	simm.s32 $_tile_overlayer_lowered  }
0x9b: {  	s22 =	simm.s32 $0x1BFF;
	s21 =	sshll.u32 s6, $0x1;
	s3 =	sadd.s32 s4, s19  }
0x9c: {  	s7 =	simm.s32 $0x0;
	s20 =	sshll.u32 s5, $0x1;
	s5 =	sadd.s32 s21, s3  }
0x9d: {  	[timem:s7], [sflag:s22] =	dma.local [hbm:s5], s20  }
0x9e: {  	_ =	swait.ge [sflag:s22], s20  }
0x9f: {  	s4 =	ssub.s32 $0x0, s20;
	[sflag:s22] =	ssyncset.done $0x0  }
0xa0: {  	[sflag:s22] =	ssyncadd.s32 s4;
	_ =	sdelay $0x1  }
0xa1: {  	s23 =	simm.s32 $0x1B8B  }
0xa2: {  	_ =	swait.ge [sflag:s23], $0x1  }
0xa3: {  	[sflag:s23] =	ssyncset.done $0x0  }
0xa4: {  	s25 =	simm.s32 $0x1B8E;
	s24 =	sld [smem:$0x3FFE];
	[sflag:s23] =	ssyncadd.s32 $0xFFFFFFFF  }
0xa5: {  	s26 =	simm.s32 $execute0_lowered;
	[smem:$0x3FD2] =	sst s25  }
0xa6: {  	s5 =	sshll.u32 s26, $0x1;
	_ =	strace $0x8000004C;
	[dreg:$0x1] =	wrdreg $0xFFFFFFFF  }
0xa7: {  	s28 =	simm.s32 $_size_execute0_lowered;
	s3 =	sadd.s32 s3, s5;
	[dreg:$0x0] =	wrdreg $0x0  }
0xa8: {  	s5 =	sshll.u32 s28, $0x1;
	[dreg:$0x2] =	wrdreg s3  }
0xa9: {  	[dreg:$0x3] =	wrdreg s5  }
0xaa: {  	[dreg:$0x4] =	wrdreg $0xC0  }
0xab: {  	_ =	task [dreg:s7], $0x5FFFF  }
0xac: {  	[dreg:$0x1] =	wrdreg $0xFFFFFFFF  }
0xad: {  	[dreg:$0x0] =	wrdreg $0x60  }
0xae: {  	[dreg:$0x2] =	wrdreg s2  }
0xaf: {  	[dreg:$0x3] =	wrdreg s24  }
0xb0: {  	[dreg:$0x4] =	wrdreg $0x52000  }
0xb1: {  	[dreg:$0x5] =	wrdreg $0x9  }
0xb2: {  	_ =	task.clear_ibuf [dreg:s7], $0x6FFFF;
	_ =	strace $0x9000004C  }
0xb3: {  	s29 =	simm.s32 $0x9;
	_ =	strace $0x8000004E  }
0xb4: {  	_ =	swait.ge [sflag:s29], $0x1  }
0xb5: {  	[sflag:s29] =	ssyncadd.s32 $0xFFFFFFFF  }
0xb6: {  	_ =	strace $0x9000004E  }
0xb7: {  	_ =	sfence  }
0xb8: {  	s30 =	sld [smem:$0x0];
	_ =	sdelay $0x2  }
0xb9: {  	s31 =	sshll.u32 s1, $0xD;
	s1 =	sshrl.u32 s1, $0x2  }
0xba: {  	s3 =	sand.u32 $0x4000, s31;
	s1 =	sadd.s32 s1, s30  }
0xbb: {  	s0 =	sor.u32 s3, s0;
	s1 =	sshll.u32 s1, $0x11  }
0xbc: {  	s0 =	sor.u32 s1, s0  }
0xbd: {  	s0 =	sadd.s32 $0x8F2B, s0  }
0xbe: {  	[sflag:s0] =	ssyncadd.remote.s32 $0x1  }
0xbf: {  	_ =	sfence.sel $0xFFFF  }
0xc0: {  	[dreg:$0x0] =	wrdreg $0xFFFFFFFF;
	(pc) =	sbr.abs _section_cstart, $3  }
0xc1: {  	[dreg:$0x1] =	wrdreg $0xFFFFFFFF  }
0xc2: {  	_ =	task.clear_ibuf [dreg:s7], $0x2FFFF;
	_ =	strace $0x9FFFFFFF  }
0xc3: {  	(tm) =	ssettm $0x7FFFFFFF  }
tec
execute0_lowered:
.L_overlay_start_1:
0x0: {  	(tag) =	ssettag $0x1  }
0x1: {  	s1 =	rddreg [dreg:$0x0]  }
0x2: {  	s0 =	rddreg [dreg:$0x1]  }
0x3: {  	s2 =	rddreg [dreg:$0x2];
	s3 =	srdreg.scid;
	s4 =	simm.s32 $0x0  }
0x4: {  	s11 =	stileid.u32;
	s28 =	simm.s32 $0x200;
	s29 =	simm.s32 $0x3  }
0x5: {  	s30 =	simm.s32 $0x2;
	s31 =	simm.s32 $0x2A00;
	s3 =	sand.u32 $0x1, s3  }
0x6: {  	[smem:$0x7FF] =	sst s4;
	s8 =	smul.u32 $0x13C00, s11;
	s5 =	sadd.s32 $0xD400, s0  }
0x7: {  	s6 =	sadd.s32 $0x3600, s0;
	s9 =	sadd.s32 $0x17200, s0;
	s18 =	smul.u32 $0x4F000, s11  }
0x8: {  	s17 =	sshll.u32 s11, $0x1;
	s20 =	smul.u32 $0x4E20, s11;
	s11 =	sshll.u32 s11, $0x6  }
0x9: {  	s7 =	smul.u32 $0x13C000, s3;
	_ =	strace $0x8000004D;
	s19 =	ssub.s32 $0x2, s3  }
0xa: {  	[dreg:$0x4] =	wrdreg s9;
	s10 =	sshrl.u32 s19, $0x1;
	s9 =	sshrl.u32 s18, $0x2  }
0xb: {  	s7 =	sadd.s32 s8, s7;
	s8 =	sor.u32 s3, s17;
	s3 =	smul.u32 $0x2710, s3  }
0xc: {  	s9 =	sadd.s32 s9, s2;
	s7 =	sshrl.u32 s7, $0x3;
	s8 =	smul.u32 $0x2710, s8  }
0xd: {  	s0 =	sadd.s32 s7, s0;
	s7 =	ssub.s32 s19, s10;
	s3 =	sadd.s32 s3, s20  }
0xe: {  	s20 =	sshrl.u32 s9, $0x3;
	s15 =	sshrl.u32 s8, $0x3;
	s8 =	sor.u32 $0x1C05, s11  }
0xf: {  	s13 =	sadd.s32 $0x19A00, s0;
	s25 =	sadd.s32 $0xF0, s3;
	s14 =	smax.u32 s7, $0x1  }
0x10: {  	s19 =	sadd.s32 $0xA0, s3;
	s3 =	simm.s32 $0x0;
	s21 =	sadd.s32 s5, s15  }
0x11: {  	s12 =	sadd.s32 $0xA, s15;
	s22 =	sadd.s32 s6, s15;
	s26 =	sadd.s32 $0x4D8, s15  }
0x12: {  	s0 =	sshrl.u32 s25, $0x3;
	s25 =	simm.s32 $0x1;
	[dreg:$0x5] =	wrdreg s21  }
0x13: {  	[dreg:$0x6] =	wrdreg s22;
	s23 =	sadd.s32 s5, s12;
	s24 =	sadd.s32 s6, s12  }
0x14: {  	s15 =	sadd.s32 s5, s26;
	s16 =	sadd.s32 s6, s26;
	s17 =	sadd.s32 s0, s6  }
0x15: {  	s18 =	sadd.s32 s0, s5;
	s21 =	simm.s32 $0x5;
	s22 =	simm.s32 $0x80  }
0x16: {  	s26 =	simm.s32 $0x50;
	s0 =	simm.s32 $0x4;
	[dreg:$0x7] =	wrdreg s23  }
0x17: {  	[dreg:$0x8] =	wrdreg s24;
	s23 =	simm.s32 $0x100;
	s24 =	simm.s32 $0x180  }
.LBB2_1:
0x18: {  	s7 =	rddreg [dreg:$0x4]  }
0x19: {  	[spmem:s20], [sflag:s8] =	dma.local [hbm:s7], $0x2780  }
0x1a: {  	_ =	swait.ge [sflag:s21], $0x2780  }
0x1b: {  	[sflag:s21] =	ssyncset.done $0x0  }
0x1c: {  	[sflag:s21] =	ssyncadd.s32 $0xFFFFD880  }
0x1d: {  	[bflag:$0x0] =	sbarrier.arrive $0xFFFF  }
0x1e: {  	s11 =	rddreg [dreg:$0x5]  }
0x1f: {  	[tilespmem:s4], [sflag:$0x1] =	stream.linear.gather [hbm4b:s11+s4], $0x50, $0x38;
	[tilespmem:$0x18E00] =	vst v63  }
0x20: {  	s12 =	rddreg [dreg:$0x6]  }
0x21: {  	[tilespmem:s22], [sflag:$0x1] =	stream.linear.gather [hbm4b:s12+s4], $0x50, $0x38;
	[tilespmem:$0x18E00] =	vst v63  }
0x22: {  	s9 =	rddreg [dreg:$0x7]  }
0x23: {  	[tilespmem:s23], [sflag:$0x2] =	stream.linear.gather [hbm4b:s9+s4], $0x50, $0x38;
	[tilespmem:$0x18E00] =	vst v63  }
0x24: {  	s10 =	rddreg [dreg:$0x8]  }
0x25: {  	[tilespmem:s24], [sflag:$0x2] =	stream.linear.gather [hbm4b:s10+s4], $0x50, $0x38;
	[tilespmem:$0x18E00] =	vst v63  }
0x26: {  	_ =	swait.ge [sflag:s25], $0x50  }
0x27: {  	[sflag:s25] =	ssyncset.done $0x0  }
0x28: {  	[sflag:s25] =	ssyncadd.s32 $0xFFFFFFB0  }
0x29: {  	_ =	swait.ge [sflag:s25], $0x50  }
0x2a: {  	[sflag:s25] =	ssyncset.done $0x0  }
0x2b: {  	[sflag:s25] =	ssyncadd.s32 $0xFFFFFFB0  }
0x2c: {  	[tilespmem:s28], [sflag:$0x3] =	stream.indirect.gather [hbm4b:s1+s26], $0x80, s4, s26, $0xb8;
	[tilespmem:$0x18E00] =	vst v63  }
0x2d: {  	_ =	swait.ge [sflag:s29], $0x2800  }
0x2e: {  	[sflag:s29] =	ssyncset.done $0x0  }
0x2f: {  	[sflag:s29] =	ssyncadd.s32 $0xFFFFD800  }
0x30: {  	_ =	swait.ge [sflag:s30], $0x50  }
0x31: {  	[sflag:s30] =	ssyncset.done $0x0  }
0x32: {  	[sflag:s30] =	ssyncadd.s32 $0xFFFFFFB0  }
0x33: {  	_ =	swait.ge [sflag:s30], $0x50  }
0x34: {  	[sflag:s30] =	ssyncset.done $0x0  }
0x35: {  	[sflag:s30] =	ssyncadd.s32 $0xFFFFFFB0  }
0x36: {  	[tilespmem:s31], [sflag:$0x4] =	stream.indirect.gather [hbm4b:s1+s26], $0x80, s23, s26, $0xb8;
	[tilespmem:$0x18E00] =	vst v63  }
0x37: {  	_ = 	snop  }
0x38: {  	[spmem:s2] =	stream.indirect.scatter.add.f32 [tilespmem:s28], [sflag:$0x5], $0x80, s22, s26, $0xb8;
	[tilespmem:$0x18E00] =	vst v63  }
0x39: {  	_ =	swait.ge [sflag:s21], $0x2800  }
0x3a: {  	s11 =	sshrl.u32 s19, $0x3;
	[sflag:s21] =	ssyncset.done $0x0  }
0x3b: {  	s9 =	sadd.s32 s5, s11;
	[sflag:s21] =	ssyncadd.s32 $0xFFFFD800  }
0x3c: {  	[tilespmem:s4], [sflag:$0x1] =	stream.linear.gather [hbm4b:s9+s4], $0x50, $0x38;
	[tilespmem:$0x18E00] =	vst v63  }
0x3d: {  	s7 =	sadd.s32 s6, s11  }
0x3e: {  	[tilespmem:s22], [sflag:$0x1] =	stream.linear.gather [hbm4b:s7+s4], $0x50, $0x38;
	[tilespmem:$0x18E00] =	vst v63  }
0x3f: {  	_ =	swait.ge [sflag:s0], $0x2800  }
0x40: {  	[sflag:s0] =	ssyncset.done $0x0  }
0x41: {  	[sflag:s0] =	ssyncadd.s32 $0xFFFFD800  }
0x42: {  	_ =	swait.ge [sflag:s25], $0x50  }
0x43: {  	[sflag:s25] =	ssyncset.done $0x0  }
0x44: {  	[sflag:s25] =	ssyncadd.s32 $0xFFFFFFB0  }
0x45: {  	_ =	swait.ge [sflag:s25], $0x50  }
0x46: {  	[sflag:s25] =	ssyncset.done $0x0  }
0x47: {  	[sflag:s25] =	ssyncadd.s32 $0xFFFFFFB0  }
0x48: {  	[tilespmem:s28], [sflag:$0x3] =	stream.indirect.gather [hbm4b:s1+s26], $0x80, s4, s26, $0xb8;
	[tilespmem:$0x18E00] =	vst v63  }
0x49: {  	_ = 	snop  }
0x4a: {  	[spmem:s2] =	stream.indirect.scatter.add.f32 [tilespmem:s31], [sflag:$0x5], $0x80, s24, s26, $0xb8;
	[tilespmem:$0x18E00] =	vst v63  }
0x4b: {  	_ =	swait.ge [sflag:s21], $0x2800  }
0x4c: {  	s12 =	sadd.s32 $0x0, s18;
	s10 =	sadd.s32 $0x0, s17;
	[sflag:s21] =	ssyncset.done $0x0  }
0x4d: {  	s9 =	sadd.s32 $0xA0, s19;
	s7 =	simm.s32 $0x14;
	[sflag:s21] =	ssyncadd.s32 $0xFFFFD800  }
0x4e: {  	[tilespmem:s23], [sflag:$0x2] =	stream.linear.gather [hbm4b:s12+s4], $0x50, $0x38;
	[tilespmem:$0x18E00] =	vst v63  }
.LBB2_2:
0x4f: {  	[tilespmem:s24], [sflag:$0x2] =	stream.linear.gather [hbm4b:s10+s4], $0x50, $0x38;
	[tilespmem:$0x18E00] =	vst v63  }
0x50: {  	s10 =	smov.u32 s7  }
0x51: {  	p0 =	sne.s32 s7, $0x4B0;
	s7 =	sadd.s32 $0x14, s7;
	_ =	swait.ge [sflag:s29], $0x2800  }
0x52: {  	[sflag:s29] =	ssyncset.done $0x0  }
0x53: {  	[sflag:s29] =	ssyncadd.s32 $0xFFFFD800  }
0x54: {  	_ =	swait.ge [sflag:s30], $0x50  }
0x55: {  	[sflag:s30] =	ssyncset.done $0x0  }
0x56: {  	[sflag:s30] =	ssyncadd.s32 $0xFFFFFFB0  }
0x57: {  	_ =	swait.ge [sflag:s30], $0x50  }
0x58: {  	[sflag:s30] =	ssyncset.done $0x0  }
0x59: {  	[sflag:s30] =	ssyncadd.s32 $0xFFFFFFB0  }
0x5a: {  	[tilespmem:s31], [sflag:$0x4] =	stream.indirect.gather [hbm4b:s1+s26], $0x80, s23, s26, $0xb8;
	[tilespmem:$0x18E00] =	vst v63  }
0x5b: {  	_ = 	snop  }
0x5c: {  	[spmem:s2] =	stream.indirect.scatter.add.f32 [tilespmem:s28], [sflag:$0x5], $0x80, s22, s26, $0xb8;
	[tilespmem:$0x18E00] =	vst v63  }
0x5d: {  	_ =	swait.ge [sflag:s21], $0x2800  }
0x5e: {  	s11 =	sshrl.u32 s9, $0x3;
	[sflag:s21] =	ssyncset.done $0x0  }
0x5f: {  	s12 =	sadd.s32 s5, s11;
	[sflag:s21] =	ssyncadd.s32 $0xFFFFD800  }
0x60: {  	[tilespmem:s4], [sflag:$0x1] =	stream.linear.gather [hbm4b:s12+s4], $0x50, $0x38;
	[tilespmem:$0x18E00] =	vst v63  }
0x61: {  	s11 =	sadd.s32 s6, s11  }
0x62: {  	[tilespmem:s22], [sflag:$0x1] =	stream.linear.gather [hbm4b:s11+s4], $0x50, $0x38;
	[tilespmem:$0x18E00] =	vst v63  }
0x63: {  	_ =	swait.ge [sflag:s0], $0x2800  }
0x64: {  	[sflag:s0] =	ssyncset.done $0x0  }
0x65: {  	[sflag:s0] =	ssyncadd.s32 $0xFFFFD800  }
0x66: {  	_ =	swait.ge [sflag:s25], $0x50  }
0x67: {  	[sflag:s25] =	ssyncset.done $0x0  }
0x68: {  	[sflag:s25] =	ssyncadd.s32 $0xFFFFFFB0  }
0x69: {  	_ =	swait.ge [sflag:s25], $0x50  }
0x6a: {  	[sflag:s25] =	ssyncset.done $0x0  }
0x6b: {  	[sflag:s25] =	ssyncadd.s32 $0xFFFFFFB0  }
0x6c: {  	[tilespmem:s28], [sflag:$0x3] =	stream.indirect.gather [hbm4b:s1+s26], $0x80, s4, s26, $0xb8;
	[tilespmem:$0x18E00] =	vst v63  }
0x6d: {  	_ = 	snop  }
0x6e: {  	[spmem:s2] =	stream.indirect.scatter.add.f32 [tilespmem:s31], [sflag:$0x5], $0x80, s24, s26, $0xb8;
	[tilespmem:$0x18E00] =	vst v63  }
.Ltmp0:
0x6f: {  	_ =	swait.ge [sflag:s21], $0x2800;
	(pc) =	sbr.rel @p0 .LBB2_2-.Ltmp0, $4  }
0x70: {  	[sflag:s21] =	ssyncset.done $0x0  }
0x71: {  	s11 =	sadd.s32 s10, s18;
	[sflag:s21] =	ssyncadd.s32 $0xFFFFD800  }
0x72: {  	[tilespmem:s23], [sflag:$0x2] =	stream.linear.gather [hbm4b:s11+s4], $0x50, $0x38;
	[tilespmem:$0x18E00] =	vst v63  }
0x73: {  	s9 =	sadd.s32 $0xA0, s9;
	s10 =	sadd.s32 s10, s17  }
0x74: {  	[tilespmem:s24], [sflag:$0x2] =	stream.linear.gather [hbm4b:s10+s4], $0x50, $0x38;
	[tilespmem:$0x18E00] =	vst v63  }
0x75: {  	_ =	swait.ge [sflag:s29], $0x2800  }
0x76: {  	[sflag:s29] =	ssyncset.done $0x0  }
0x77: {  	[sflag:s29] =	ssyncadd.s32 $0xFFFFD800  }
0x78: {  	_ =	swait.ge [sflag:s30], $0x50  }
0x79: {  	[sflag:s30] =	ssyncset.done $0x0  }
0x7a: {  	[sflag:s30] =	ssyncadd.s32 $0xFFFFFFB0  }
0x7b: {  	_ =	swait.ge [sflag:s30], $0x50  }
0x7c: {  	[sflag:s30] =	ssyncset.done $0x0  }
0x7d: {  	[sflag:s30] =	ssyncadd.s32 $0xFFFFFFB0  }
0x7e: {  	[tilespmem:s31], [sflag:$0x4] =	stream.indirect.gather [hbm4b:s1+s26], $0x80, s23, s26, $0xb8;
	[tilespmem:$0x18E00] =	vst v63  }
0x7f: {  	_ = 	snop  }
0x80: {  	[spmem:s2] =	stream.indirect.scatter.add.f32 [tilespmem:s28], [sflag:$0x5], $0x80, s22, s26, $0xb8;
	[tilespmem:$0x18E00] =	vst v63  }
0x81: {  	_ =	swait.ge [sflag:s21], $0x2800  }
0x82: {  	[sflag:s21] =	ssyncset.done $0x0  }
0x83: {  	[sflag:s21] =	ssyncadd.s32 $0xFFFFD800  }
0x84: {  	[tilespmem:s4], [sflag:$0x1] =	stream.linear.gather [hbm4b:s15+s4], $0x50, $0x38;
	[tilespmem:$0x18E00] =	vst v63  }
0x85: {  	_ = 	snop  }
0x86: {  	[tilespmem:s22], [sflag:$0x1] =	stream.linear.gather [hbm4b:s16+s4], $0x50, $0x38;
	[tilespmem:$0x18E00] =	vst v63  }
0x87: {  	_ =	swait.ge [sflag:s0], $0x2800  }
0x88: {  	[sflag:s0] =	ssyncset.done $0x0  }
0x89: {  	[sflag:s0] =	ssyncadd.s32 $0xFFFFD800  }
0x8a: {  	_ =	swait.ge [sflag:s25], $0x50  }
0x8b: {  	[sflag:s25] =	ssyncset.done $0x0  }
0x8c: {  	[sflag:s25] =	ssyncadd.s32 $0xFFFFFFB0  }
0x8d: {  	_ =	swait.ge [sflag:s25], $0x50  }
0x8e: {  	[sflag:s25] =	ssyncset.done $0x0  }
0x8f: {  	[sflag:s25] =	ssyncadd.s32 $0xFFFFFFB0  }
0x90: {  	[tilespmem:s28], [sflag:$0x3] =	stream.indirect.gather [hbm4b:s1+s26], $0x80, s4, s26, $0xb8;
	[tilespmem:$0x18E00] =	vst v63  }
0x91: {  	_ = 	snop  }
0x92: {  	[spmem:s2] =	stream.indirect.scatter.add.f32 [tilespmem:s31], [sflag:$0x5], $0x80, s24, s26, $0xb8;
	[tilespmem:$0x18E00] =	vst v63  }
0x93: {  	_ =	swait.ge [sflag:s21], $0x2800  }
0x94: {  	[sflag:s21] =	ssyncset.done $0x0  }
0x95: {  	[sflag:s21] =	ssyncadd.s32 $0xFFFFD800  }
0x96: {  	_ =	swait.ge [sflag:s29], $0x2800  }
0x97: {  	[sflag:s29] =	ssyncset.done $0x0  }
0x98: {  	[sflag:s29] =	ssyncadd.s32 $0xFFFFD800  }
0x99: {  	[spmem:s2] =	stream.indirect.scatter.add.f32 [tilespmem:s28], [sflag:$0x5], $0x80, s22, s26, $0xb8;
	[tilespmem:$0x18E00] =	vst v63  }
0x9a: {  	_ =	swait.ge [sflag:s21], $0x2800  }
0x9b: {  	s3 =	sadd.s32 $0x1, s3;
	[sflag:s21] =	ssyncset.done $0x0  }
0x9c: {  	p0 =	sne.s32 s3, s14;
	[sflag:s21] =	ssyncadd.s32 $0xFFFFD800  }
.Ltmp1:
0x9d: {  	[bflag:$0x0] =	sbarrier.arrive $0xFFFF;
	(pc) =	sbr.rel @p0 .LBB2_1-.Ltmp1, $4  }
0x9e: {  	[hbm:s13], [sflag:s8] =	dma.local [spmem:s20], $0x2780  }
0x9f: {  	_ =	swait.ge [sflag:s21], $0x2780  }
0xa0: {  	[sflag:s21] =	ssyncset.done $0x0  }
0xa1: {  	[sflag:s21] =	ssyncadd.s32 $0xFFFFD880  }
0xa2: {  	_ =	sfence.sel $0x180000  }
0xa3: {  	[bflag:$0x0] =	sbarrier.arrive $0xFFFF  }
0xa4: {  	_ =	strace $0x9000004D  }
0xa5: {  	s0 =	stileid.u32;
	[bflag:$0x2] =	sbarrier.arrive $0xFFFF  }
0xa6: {  	p0 =	sne.s32 s0, $0x0;
	s0 =	rddreg [dreg:$0x3]  }
0xa7: {  	s0 =	sadd.s32 @!p0 $0x100000, s0  }
0xa8: {  	[sflag:s0] =	ssyncadd.tile.s32 @!p0 $0x1;
	_ =	shalt  }
.Lfunc_end2:
_tile_overlayer_lowered:
.L_overlay_start_2:
0xa9: {  	(tag) =	ssettag $0x2  }
0xaa: {  	s0 =	rddreg [dreg:$0x0];
	s2 =	stileid.u32  }
0xab: {  	s1 =	rddreg [dreg:$0x1];
	p0 =	sne.s32 s2, $0x0  }
0xac: {  	s3 =	rddreg [dreg:$0x2];
	[bflag:$0x3] =	sbarrier.arrive $0xFFFF;
	s2 =	simm.s32 @!p0 $0x1C05  }
0xad: {  	[timem:s3], [sflag:s2] =	dma.local @!p0 [hbm:s0], s1  }
0xae: {  	s0 =	simm.s32 @!p0 $0x5  }
0xaf: {  	_ =	swait.ge @!p0 [sflag:s0], s1  }
0xb0: {  	s1 =	ssub.s32 @!p0 $0x0, s1;
	[sflag:s0] =	ssyncset.done @!p0 $0x0  }
0xb1: {  	[sflag:s0] =	ssyncadd.s32 @!p0 s1  }
0xb2: {  	[bflag:$0x3] =	sbarrier.arrive $0xFFFF  }
0xb3: {  	_ =	shalt  }

// kernel: kernel.18.cloned.1.call-start
scs
__scs_entry_jumppad:
0x0: {  	(pc) =	sbr.rel $0x88, $3  }
0x1: {  	(tag) =	ssettag $0x0;
	lr =	simm.s32 $0x1  }
0x2: {  	[smem:$0x3F92] =	sst lr;
	_ =	strace $0xD0000000  }
0x3: {  	_ = 	snop  }
0x4: {  	_ = 	snop  }
0x5: {  	_ = 	snop  }
0x6: {  	_ = 	snop  }
0x7: {  	_ = 	snop  }
__scs_overlays_trampoline_lowered:
0x8: {  	[smem:$0x3FA1] =	sst s0  }
0x9: {  	[smem:$0x3FA2] =	sst s1  }
0xa: {  	[smem:$0x3FA3] =	sst s2  }
0xb: {  	[smem:$0x3FA4] =	sst s3  }
0xc: {  	[smem:$0x3FA5] =	sst s4  }
0xd: {  	[smem:$0x3FA6] =	sst s5  }
0xe: {  	[smem:$0x3FA7] =	sst s6  }
0xf: {  	[smem:$0x3FA8] =	sst s7  }
0x10: {  	[smem:$0x3FA9] =	sst s8  }
0x11: {  	[smem:$0x3FAA] =	sst s9;
	s0 =	simm.s32 @!p0 $0x0  }
0x12: {  	s1 =	sld [smem:$0x3F90];
	s0 =	simm.s32 @p0 $0x1  }
0x13: {  	[smem:$0x3FAB] =	sst s0;
	s0 =	simm.s32 @!p1 $0x0  }
0x14: {  	s2 =	sld [smem:$0x3F8F];
	s0 =	simm.s32 @p1 $0x1  }
0x15: {  	[smem:$0x3FAC] =	sst s0;
	s0 =	simm.s32 @!p2 $0x0  }
0x16: {  	s3 =	sld [smem:$0x3FDB];
	s0 =	simm.s32 @p2 $0x1  }
0x17: {  	s4 =	simm.s32 $0x1BF5;
	[smem:$0x3FAE] =	sst s0  }
0x18: {  	s0 =	sld [smem:$0x3F91];
	_ =	swait.ge [sflag:s4], $0x0  }
0x19: {  	s7 =	sld [smem:$0x3F92]  }
0x1a: {  	s8 =	sadd.s32 $0xFFFFE003, lr  }
0x1b: {  	s9 =	sadd.s32 $0xFFFFFEF7, lr;
	s5 =	simm.s32 $0xFFFFFFFF;
	p2 =	slt.u32 s8, $0xFFFFF086  }
0x1c: {  	p1 =	slt.u32 s9, $0xF7A;
	s5 =	simm.s32 @!p2 $0x0  }
0x1d: {  	s5 =	simm.s32 @p1 $0x1;
	p0 =	seq.s32 s7, s2  }
0x1e: {  	s7 =	smul.u32 @!p0 $0xF7A, s2;
	p2 =	seq.s32 @!p0 s5, $0x0  }
0x1f: {  	s9 =	smul.u32 $0xF7A, s1;
	s8 =	simm.s32 @!p0 $0x1BF5;
	p2 =	por !p2, p0  }
0x20: {  	[sflag:s8] =	ssyncset.s32 @!p0 $0xFFFFF086;
	s6 =	sadd.s32 @!p0 s3, s7;
	s7 =	simm.s32 @!p0 $0x108  }
0x21: {  	s3 =	sadd.s32 s3, s9;
	s6 =	sadd.s32 @!p0 $0x88, s6;
	s7 =	simm.s32 @p2 $0x1082  }
0x22: {  	[simem:s7], [sflag:s8] =	dma.local @!p0 [hbm:s6], $0xF7A  }
0x23: {  	s9 =	sor.u32 $0xD0000000, s2;
	s6 =	simm.s32 $0x108;
	_ =	swait.ge @!p0 [sflag:s8], $0x0  }
0x24: {  	s3 =	sadd.s32 $0x88, s3;
	s6 =	simm.s32 @!p1 $0x1082;
	[sflag:s4] =	ssyncset.s32 $0xFFFFF086  }
0x25: {  	[simem:s6], [sflag:s4] =	dma.local [hbm:s3], $0xF7A  }
0x26: {  	[smem:$0x3F92] =	sst s1;
	(tag) =	ssettag s2;
	_ =	strace s9  }
0x27: {  	s1 =	sld [smem:$0x3FA2]  }
0x28: {  	s2 =	sld [smem:$0x3FA3]  }
0x29: {  	s4 =	sld [smem:$0x3FA5]  }
0x2a: {  	p0 =	seq.s32 s5, $0x0;
	s5 =	sld [smem:$0x3FA6]  }
0x2b: {  	s6 =	sld [smem:$0x3FA7]  }
0x2c: {  	s7 =	sld [smem:$0x3FA8]  }
0x2d: {  	s3 =	simm.s32 $0x108;
	s8 =	sld [smem:$0x3FA9]  }
0x2e: {  	s3 =	simm.s32 @!p0 $0x1082;
	s9 =	sld [smem:$0x3FAA]  }
0x2f: {  	lr =	sadd.s32 s0, s3;
	s0 =	sld [smem:$0x3FA1]  }
0x30: {  	s3 =	sld [smem:$0x3FA4]  }
0x31: {  	[smem:$0x3FAD] =	sst s10  }
0x32: {  	s10 =	sld [smem:$0x3FAB];
	_ =	sdelay $0x3  }
0x33: {  	p0 =	seq.s32 s10, $0x1;
	s10 =	sld [smem:$0x3FAD];
	_ =	sdelay $0x3  }
0x34: {  	[smem:$0x3FAD] =	sst s10  }
0x35: {  	s10 =	sld [smem:$0x3FAC];
	_ =	sdelay $0x3  }
0x36: {  	p1 =	seq.s32 s10, $0x1;
	s10 =	sld [smem:$0x3FAD];
	_ =	sdelay $0x3  }
0x37: {  	[smem:$0x3FAD] =	sst s10  }
0x38: {  	s10 =	sld [smem:$0x3FAE]  }
0x39: {  	_ = 	snop;
	(pc) =	sbr.ind lr, $3  }
0x3a: {  	_ = 	snop  }
0x3b: {  	_ = 	snop  }
0x3c: {  	p2 =	seq.s32 s10, $0x1;
	s10 =	sld [smem:$0x3FAD]  }
0x3d: {  	_ =	shalt  }
0x3e: {  	_ =	shalt  }
0x3f: {  	_ =	shalt  }
0x40: {  	_ =	shalt  }
0x41: {  	_ =	shalt  }
0x42: {  	_ =	shalt  }
0x43: {  	_ =	shalt  }
0x44: {  	_ =	shalt  }
0x45: {  	_ =	shalt  }
0x46: {  	_ =	shalt  }
0x47: {  	_ =	shalt  }
0x48: {  	_ =	shalt  }
0x49: {  	_ =	shalt  }
0x4a: {  	_ =	shalt  }
0x4b: {  	_ =	shalt  }
0x4c: {  	_ =	shalt  }
0x4d: {  	_ =	shalt  }
0x4e: {  	_ =	shalt  }
0x4f: {  	_ =	shalt  }
0x50: {  	_ =	shalt  }
0x51: {  	_ =	shalt  }
0x52: {  	_ =	shalt  }
0x53: {  	_ =	shalt  }
0x54: {  	_ =	shalt  }
0x55: {  	_ =	shalt  }
0x56: {  	_ =	shalt  }
0x57: {  	_ =	shalt  }
0x58: {  	_ =	shalt  }
0x59: {  	_ =	shalt  }
0x5a: {  	_ =	shalt  }
0x5b: {  	_ =	shalt  }
0x5c: {  	_ =	shalt  }
0x5d: {  	_ =	shalt  }
0x5e: {  	_ =	shalt  }
0x5f: {  	_ =	shalt  }
0x60: {  	_ =	shalt  }
0x61: {  	_ =	shalt  }
0x62: {  	_ =	shalt  }
0x63: {  	_ =	shalt  }
0x64: {  	_ =	shalt  }
0x65: {  	_ =	shalt  }
0x66: {  	_ =	shalt  }
0x67: {  	_ =	shalt  }
0x68: {  	_ =	shalt  }
0x69: {  	_ =	shalt  }
0x6a: {  	_ =	shalt  }
0x6b: {  	_ =	shalt  }
0x6c: {  	_ =	shalt  }
0x6d: {  	_ =	shalt  }
0x6e: {  	_ =	shalt  }
0x6f: {  	_ =	shalt  }
0x70: {  	_ =	shalt  }
0x71: {  	_ =	shalt  }
0x72: {  	_ =	shalt  }
0x73: {  	_ =	shalt  }
0x74: {  	_ =	shalt  }
0x75: {  	_ =	shalt  }
0x76: {  	_ =	shalt  }
0x77: {  	_ =	shalt  }
0x78: {  	_ =	shalt  }
0x79: {  	_ =	shalt  }
0x7a: {  	_ =	shalt  }
0x7b: {  	_ =	shalt  }
0x7c: {  	_ =	shalt  }
0x7d: {  	_ =	shalt  }
0x7e: {  	_ =	shalt  }
0x7f: {  	_ =	shalt  }
0x80: {  	_ =	shalt  }
0x81: {  	_ =	shalt  }
0x82: {  	_ =	shalt  }
0x83: {  	_ =	shalt  }
0x84: {  	_ =	shalt  }
0x85: {  	_ =	shalt  }
0x86: {  	_ =	shalt  }
0x87: {  	_ =	shalt  }
.Lfunc_end0:
.L_simem_size_0:
called_computation.3_lowered:
.L_overlay_start_0:
0x88: {  	s2 =	sld [smem:$0x3FD9]  }
0x89: {  	s3 =	sld [smem:$0x3FFE];
	_ =	sdelay $0x1  }
0x8a: {  	s1 =	srdreg.scid  }
0x8b: {  	s0 =	sand.u32 $0x1, s1  }
0x8c: {  	s17 =	sshll.u32 s0, $0xA;
	s2 =	sadd.s32 s3, s2  }
0x8d: {  	s2 =	sadd.s32 s2, s17  }
0x8e: {  	[smem:$0x3FB9] =	sst s2  }
0x8f: {  	_ = 	snop  }
0x90: {  	s2 =	sld [smem:$0x3FD0];
	(tm) =	ssettm $0x1  }
0x91: {  	s18 =	sld [smem:$0x3FFB];
	_ =	sdelay $0x3  }
0x92: {  	_ =	strace s18  }
0x93: {  	s3 =	sld [smem:$0x3FFC];
	_ =	sdelay $0x3  }
0x94: {  	_ =	strace s3  }
0x95: {  	s3 =	sld [smem:$0x3FFD];
	_ =	sdelay $0x3  }
0x96: {  	_ =	strace s3  }
0x97: {  	_ =	strace $0x8FFFFFFF  }
0x98: {  	s19 =	sld [smem:$0x3FDB];
	_ =	sdelay $0x1  }
0x99: {  	s4 =	simm.s32 $_scs_section_size  }
0x9a: {  	s5 =	simm.s32 $_size__tile_overlayer_lowered;
	s6 =	simm.s32 $_tile_overlayer_lowered  }
0x9b: {  	s22 =	simm.s32 $0x1BFF;
	s21 =	sshll.u32 s6, $0x1;
	s3 =	sadd.s32 s4, s19  }
0x9c: {  	s7 =	simm.s32 $0x0;
	s20 =	sshll.u32 s5, $0x1;
	s5 =	sadd.s32 s21, s3  }
0x9d: {  	[timem:s7], [sflag:s22] =	dma.local [hbm:s5], s20  }
0x9e: {  	_ =	swait.ge [sflag:s22], s20  }
0x9f: {  	s4 =	ssub.s32 $0x0, s20;
	[sflag:s22] =	ssyncset.done $0x0  }
0xa0: {  	[sflag:s22] =	ssyncadd.s32 s4;
	_ =	sdelay $0x1  }
0xa1: {  	s23 =	simm.s32 $0x1B8B  }
0xa2: {  	_ =	swait.ge [sflag:s23], $0x1  }
0xa3: {  	[sflag:s23] =	ssyncset.done $0x0  }
0xa4: {  	s25 =	simm.s32 $0x1B8E;
	s24 =	sld [smem:$0x3FFE];
	[sflag:s23] =	ssyncadd.s32 $0xFFFFFFFF  }
0xa5: {  	s26 =	simm.s32 $execute0_lowered;
	[smem:$0x3FD2] =	sst s25  }
0xa6: {  	s5 =	sshll.u32 s26, $0x1;
	_ =	strace $0x8000004F;
	[dreg:$0x1] =	wrdreg $0xFFFFFFFF  }
0xa7: {  	s28 =	simm.s32 $_size_execute0_lowered;
	s3 =	sadd.s32 s3, s5;
	[dreg:$0x0] =	wrdreg $0x0  }
0xa8: {  	s5 =	sshll.u32 s28, $0x1;
	[dreg:$0x2] =	wrdreg s3  }
0xa9: {  	[dreg:$0x3] =	wrdreg s5  }
0xaa: {  	[dreg:$0x4] =	wrdreg $0xC0  }
0xab: {  	_ =	task [dreg:s7], $0x5FFFF  }
0xac: {  	[dreg:$0x1] =	wrdreg $0xFFFFFFFF  }
0xad: {  	[dreg:$0x0] =	wrdreg $0x60  }
0xae: {  	[dreg:$0x2] =	wrdreg s2  }
0xaf: {  	[dreg:$0x3] =	wrdreg s24  }
0xb0: {  	[dreg:$0x4] =	wrdreg $0x52000  }
0xb1: {  	[dreg:$0x5] =	wrdreg $0x9  }
0xb2: {  	_ =	task.clear_ibuf [dreg:s7], $0x6FFFF;
	_ =	strace $0x9000004F  }
0xb3: {  	s29 =	simm.s32 $0x9;
	_ =	strace $0x80000051  }
0xb4: {  	_ =	swait.ge [sflag:s29], $0x1  }
0xb5: {  	[sflag:s29] =	ssyncadd.s32 $0xFFFFFFFF  }
0xb6: {  	_ =	strace $0x90000051  }
0xb7: {  	_ =	sfence  }
0xb8: {  	s30 =	sld [smem:$0x0];
	_ =	sdelay $0x2  }
0xb9: {  	s31 =	sshll.u32 s1, $0xD;
	s1 =	sshrl.u32 s1, $0x2  }
0xba: {  	s3 =	sand.u32 $0x4000, s31;
	s1 =	sadd.s32 s1, s30  }
0xbb: {  	s0 =	sor.u32 s3, s0;
	s1 =	sshll.u32 s1, $0x11  }
0xbc: {  	s0 =	sor.u32 s1, s0  }
0xbd: {  	s0 =	sadd.s32 $0x8F2B, s0  }
0xbe: {  	[sflag:s0] =	ssyncadd.remote.s32 $0x1  }
0xbf: {  	_ =	sfence.sel $0xFFFF  }
0xc0: {  	[dreg:$0x0] =	wrdreg $0xFFFFFFFF;
	(pc) =	sbr.abs _section_cstart, $3  }
0xc1: {  	[dreg:$0x1] =	wrdreg $0xFFFFFFFF  }
0xc2: {  	_ =	task.clear_ibuf [dreg:s7], $0x2FFFF;
	_ =	strace $0x9FFFFFFF  }
0xc3: {  	(tm) =	ssettm $0x7FFFFFFF  }
tec
execute0_lowered:
.L_overlay_start_1:
0x0: {  	(tag) =	ssettag $0x1  }
0x1: {  	s1 =	rddreg [dreg:$0x0]  }
0x2: {  	s0 =	rddreg [dreg:$0x1]  }
0x3: {  	s2 =	rddreg [dreg:$0x2];
	s3 =	srdreg.scid;
	s4 =	simm.s32 $0x0  }
0x4: {  	s11 =	stileid.u32;
	s28 =	simm.s32 $0x200;
	s29 =	simm.s32 $0x3  }
0x5: {  	s30 =	simm.s32 $0x2;
	s31 =	simm.s32 $0x2A00;
	s3 =	sand.u32 $0x1, s3  }
0x6: {  	[smem:$0x7FF] =	sst s4;
	s8 =	smul.u32 $0x13C00, s11;
	s5 =	sadd.s32 $0xD400, s0  }
0x7: {  	s6 =	sadd.s32 $0x3600, s0;
	s9 =	sadd.s32 $0x17200, s0;
	s18 =	smul.u32 $0x4F000, s11  }
0x8: {  	s17 =	sshll.u32 s11, $0x1;
	s20 =	smul.u32 $0x4E20, s11;
	s11 =	sshll.u32 s11, $0x6  }
0x9: {  	s7 =	smul.u32 $0x13C000, s3;
	_ =	strace $0x80000050;
	s19 =	ssub.s32 $0x2, s3  }
0xa: {  	[dreg:$0x4] =	wrdreg s9;
	s10 =	sshrl.u32 s19, $0x1;
	s9 =	sshrl.u32 s18, $0x2  }
0xb: {  	s7 =	sadd.s32 s8, s7;
	s8 =	sor.u32 s3, s17;
	s3 =	smul.u32 $0x2710, s3  }
0xc: {  	s9 =	sadd.s32 s9, s2;
	s7 =	sshrl.u32 s7, $0x3;
	s8 =	smul.u32 $0x2710, s8  }
0xd: {  	s0 =	sadd.s32 s7, s0;
	s7 =	ssub.s32 s19, s10;
	s3 =	sadd.s32 s3, s20  }
0xe: {  	s20 =	sshrl.u32 s9, $0x3;
	s15 =	sshrl.u32 s8, $0x3;
	s8 =	sor.u32 $0x1C05, s11  }
0xf: {  	s13 =	sadd.s32 $0x19A00, s0;
	s25 =	sadd.s32 $0xF0, s3;
	s14 =	smax.u32 s7, $0x1  }
0x10: {  	s19 =	sadd.s32 $0xA0, s3;
	s3 =	simm.s32 $0x0;
	s21 =	sadd.s32 s5, s15  }
0x11: {  	s12 =	sadd.s32 $0xA, s15;
	s22 =	sadd.s32 s6, s15;
	s26 =	sadd.s32 $0x4D8, s15  }
0x12: {  	s0 =	sshrl.u32 s25, $0x3;
	s25 =	simm.s32 $0x1;
	[dreg:$0x5] =	wrdreg s21  }
0x13: {  	[dreg:$0x6] =	wrdreg s22;
	s23 =	sadd.s32 s5, s12;
	s24 =	sadd.s32 s6, s12  }
0x14: {  	s15 =	sadd.s32 s5, s26;
	s16 =	sadd.s32 s6, s26;
	s17 =	sadd.s32 s0, s6  }
0x15: {  	s18 =	sadd.s32 s0, s5;
	s21 =	simm.s32 $0x5;
	s22 =	simm.s32 $0x80  }
0x16: {  	s26 =	simm.s32 $0x50;
	s0 =	simm.s32 $0x4;
	[dreg:$0x7] =	wrdreg s23  }
0x17: {  	[dreg:$0x8] =	wrdreg s24;
	s23 =	simm.s32 $0x100;
	s24 =	simm.s32 $0x180  }
.LBB2_1:
0x18: {  	s7 =	rddreg [dreg:$0x4]  }
0x19: {  	[spmem:s20], [sflag:s8] =	dma.local [hbm:s7], $0x2780  }
0x1a: {  	_ =	swait.ge [sflag:s21], $0x2780  }
0x1b: {  	[sflag:s21] =	ssyncset.done $0x0  }
0x1c: {  	[sflag:s21] =	ssyncadd.s32 $0xFFFFD880  }
0x1d: {  	[bflag:$0x0] =	sbarrier.arrive $0xFFFF  }
0x1e: {  	s11 =	rddreg [dreg:$0x5]  }
0x1f: {  	[tilespmem:s4], [sflag:$0x1] =	stream.linear.gather [hbm4b:s11+s4], $0x50, $0x38;
	[tilespmem:$0x18E00] =	vst v63  }
0x20: {  	s12 =	rddreg [dreg:$0x6]  }
0x21: {  	[tilespmem:s22], [sflag:$0x1] =	stream.linear.gather [hbm4b:s12+s4], $0x50, $0x38;
	[tilespmem:$0x18E00] =	vst v63  }
0x22: {  	s9 =	rddreg [dreg:$0x7]  }
0x23: {  	[tilespmem:s23], [sflag:$0x2] =	stream.linear.gather [hbm4b:s9+s4], $0x50, $0x38;
	[tilespmem:$0x18E00] =	vst v63  }
0x24: {  	s10 =	rddreg [dreg:$0x8]  }
0x25: {  	[tilespmem:s24], [sflag:$0x2] =	stream.linear.gather [hbm4b:s10+s4], $0x50, $0x38;
	[tilespmem:$0x18E00] =	vst v63  }
0x26: {  	_ =	swait.ge [sflag:s25], $0x50  }
0x27: {  	[sflag:s25] =	ssyncset.done $0x0  }
0x28: {  	[sflag:s25] =	ssyncadd.s32 $0xFFFFFFB0  }
0x29: {  	_ =	swait.ge [sflag:s25], $0x50  }
0x2a: {  	[sflag:s25] =	ssyncset.done $0x0  }
0x2b: {  	[sflag:s25] =	ssyncadd.s32 $0xFFFFFFB0  }
0x2c: {  	[tilespmem:s28], [sflag:$0x3] =	stream.indirect.gather [hbm4b:s1+s26], $0x80, s4, s26, $0xb8;
	[tilespmem:$0x18E00] =	vst v63  }
0x2d: {  	_ =	swait.ge [sflag:s29], $0x2800  }
0x2e: {  	[sflag:s29] =	ssyncset.done $0x0  }
0x2f: {  	[sflag:s29] =	ssyncadd.s32 $0xFFFFD800  }
0x30: {  	_ =	swait.ge [sflag:s30], $0x50  }
0x31: {  	[sflag:s30] =	ssyncset.done $0x0  }
0x32: {  	[sflag:s30] =	ssyncadd.s32 $0xFFFFFFB0  }
0x33: {  	_ =	swait.ge [sflag:s30], $0x50  }
0x34: {  	[sflag:s30] =	ssyncset.done $0x0  }
0x35: {  	[sflag:s30] =	ssyncadd.s32 $0xFFFFFFB0  }
0x36: {  	[tilespmem:s31], [sflag:$0x4] =	stream.indirect.gather [hbm4b:s1+s26], $0x80, s23, s26, $0xb8;
	[tilespmem:$0x18E00] =	vst v63  }
0x37: {  	_ = 	snop  }
0x38: {  	[spmem:s2] =	stream.indirect.scatter.add.f32 [tilespmem:s28], [sflag:$0x5], $0x80, s22, s26, $0xb8;
	[tilespmem:$0x18E00] =	vst v63  }
0x39: {  	_ =	swait.ge [sflag:s21], $0x2800  }
0x3a: {  	s11 =	sshrl.u32 s19, $0x3;
	[sflag:s21] =	ssyncset.done $0x0  }
0x3b: {  	s9 =	sadd.s32 s5, s11;
	[sflag:s21] =	ssyncadd.s32 $0xFFFFD800  }
0x3c: {  	[tilespmem:s4], [sflag:$0x1] =	stream.linear.gather [hbm4b:s9+s4], $0x50, $0x38;
	[tilespmem:$0x18E00] =	vst v63  }
0x3d: {  	s7 =	sadd.s32 s6, s11  }
0x3e: {  	[tilespmem:s22], [sflag:$0x1] =	stream.linear.gather [hbm4b:s7+s4], $0x50, $0x38;
	[tilespmem:$0x18E00] =	vst v63  }
0x3f: {  	_ =	swait.ge [sflag:s0], $0x2800  }
0x40: {  	[sflag:s0] =	ssyncset.done $0x0  }
0x41: {  	[sflag:s0] =	ssyncadd.s32 $0xFFFFD800  }
0x42: {  	_ =	swait.ge [sflag:s25], $0x50  }
0x43: {  	[sflag:s25] =	ssyncset.done $0x0  }
0x44: {  	[sflag:s25] =	ssyncadd.s32 $0xFFFFFFB0  }
0x45: {  	_ =	swait.ge [sflag:s25], $0x50  }
0x46: {  	[sflag:s25] =	ssyncset.done $0x0  }
0x47: {  	[sflag:s25] =	ssyncadd.s32 $0xFFFFFFB0  }
0x48: {  	[tilespmem:s28], [sflag:$0x3] =	stream.indirect.gather [hbm4b:s1+s26], $0x80, s4, s26, $0xb8;
	[tilespmem:$0x18E00] =	vst v63  }
0x49: {  	_ = 	snop  }
0x4a: {  	[spmem:s2] =	stream.indirect.scatter.add.f32 [tilespmem:s31], [sflag:$0x5], $0x80, s24, s26, $0xb8;
	[tilespmem:$0x18E00] =	vst v63  }
0x4b: {  	_ =	swait.ge [sflag:s21], $0x2800  }
0x4c: {  	s12 =	sadd.s32 $0x0, s18;
	s10 =	sadd.s32 $0x0, s17;
	[sflag:s21] =	ssyncset.done $0x0  }
0x4d: {  	s9 =	sadd.s32 $0xA0, s19;
	s7 =	simm.s32 $0x14;
	[sflag:s21] =	ssyncadd.s32 $0xFFFFD800  }
0x4e: {  	[tilespmem:s23], [sflag:$0x2] =	stream.linear.gather [hbm4b:s12+s4], $0x50, $0x38;
	[tilespmem:$0x18E00] =	vst v63  }
.LBB2_2:
0x4f: {  	[tilespmem:s24], [sflag:$0x2] =	stream.linear.gather [hbm4b:s10+s4], $0x50, $0x38;
	[tilespmem:$0x18E00] =	vst v63  }
0x50: {  	s10 =	smov.u32 s7  }
0x51: {  	p0 =	sne.s32 s7, $0x4B0;
	s7 =	sadd.s32 $0x14, s7;
	_ =	swait.ge [sflag:s29], $0x2800  }
0x52: {  	[sflag:s29] =	ssyncset.done $0x0  }
0x53: {  	[sflag:s29] =	ssyncadd.s32 $0xFFFFD800  }
0x54: {  	_ =	swait.ge [sflag:s30], $0x50  }
0x55: {  	[sflag:s30] =	ssyncset.done $0x0  }
0x56: {  	[sflag:s30] =	ssyncadd.s32 $0xFFFFFFB0  }
0x57: {  	_ =	swait.ge [sflag:s30], $0x50  }
0x58: {  	[sflag:s30] =	ssyncset.done $0x0  }
0x59: {  	[sflag:s30] =	ssyncadd.s32 $0xFFFFFFB0  }
0x5a: {  	[tilespmem:s31], [sflag:$0x4] =	stream.indirect.gather [hbm4b:s1+s26], $0x80, s23, s26, $0xb8;
	[tilespmem:$0x18E00] =	vst v63  }
0x5b: {  	_ = 	snop  }
0x5c: {  	[spmem:s2] =	stream.indirect.scatter.add.f32 [tilespmem:s28], [sflag:$0x5], $0x80, s22, s26, $0xb8;
	[tilespmem:$0x18E00] =	vst v63  }
0x5d: {  	_ =	swait.ge [sflag:s21], $0x2800  }
0x5e: {  	s11 =	sshrl.u32 s9, $0x3;
	[sflag:s21] =	ssyncset.done $0x0  }
0x5f: {  	s12 =	sadd.s32 s5, s11;
	[sflag:s21] =	ssyncadd.s32 $0xFFFFD800  }
0x60: {  	[tilespmem:s4], [sflag:$0x1] =	stream.linear.gather [hbm4b:s12+s4], $0x50, $0x38;
	[tilespmem:$0x18E00] =	vst v63  }
0x61: {  	s11 =	sadd.s32 s6, s11  }
0x62: {  	[tilespmem:s22], [sflag:$0x1] =	stream.linear.gather [hbm4b:s11+s4], $0x50, $0x38;
	[tilespmem:$0x18E00] =	vst v63  }
0x63: {  	_ =	swait.ge [sflag:s0], $0x2800  }
0x64: {  	[sflag:s0] =	ssyncset.done $0x0  }
0x65: {  	[sflag:s0] =	ssyncadd.s32 $0xFFFFD800  }
0x66: {  	_ =	swait.ge [sflag:s25], $0x50  }
0x67: {  	[sflag:s25] =	ssyncset.done $0x0  }
0x68: {  	[sflag:s25] =	ssyncadd.s32 $0xFFFFFFB0  }
0x69: {  	_ =	swait.ge [sflag:s25], $0x50  }
0x6a: {  	[sflag:s25] =	ssyncset.done $0x0  }
0x6b: {  	[sflag:s25] =	ssyncadd.s32 $0xFFFFFFB0  }
0x6c: {  	[tilespmem:s28], [sflag:$0x3] =	stream.indirect.gather [hbm4b:s1+s26], $0x80, s4, s26, $0xb8;
	[tilespmem:$0x18E00] =	vst v63  }
0x6d: {  	_ = 	snop  }
0x6e: {  	[spmem:s2] =	stream.indirect.scatter.add.f32 [tilespmem:s31], [sflag:$0x5], $0x80, s24, s26, $0xb8;
	[tilespmem:$0x18E00] =	vst v63  }
.Ltmp0:
0x6f: {  	_ =	swait.ge [sflag:s21], $0x2800;
	(pc) =	sbr.rel @p0 .LBB2_2-.Ltmp0, $4  }
0x70: {  	[sflag:s21] =	ssyncset.done $0x0  }
0x71: {  	s11 =	sadd.s32 s10, s18;
	[sflag:s21] =	ssyncadd.s32 $0xFFFFD800  }
0x72: {  	[tilespmem:s23], [sflag:$0x2] =	stream.linear.gather [hbm4b:s11+s4], $0x50, $0x38;
	[tilespmem:$0x18E00] =	vst v63  }
0x73: {  	s9 =	sadd.s32 $0xA0, s9;
	s10 =	sadd.s32 s10, s17  }
0x74: {  	[tilespmem:s24], [sflag:$0x2] =	stream.linear.gather [hbm4b:s10+s4], $0x50, $0x38;
	[tilespmem:$0x18E00] =	vst v63  }
0x75: {  	_ =	swait.ge [sflag:s29], $0x2800  }
0x76: {  	[sflag:s29] =	ssyncset.done $0x0  }
0x77: {  	[sflag:s29] =	ssyncadd.s32 $0xFFFFD800  }
0x78: {  	_ =	swait.ge [sflag:s30], $0x50  }
0x79: {  	[sflag:s30] =	ssyncset.done $0x0  }
0x7a: {  	[sflag:s30] =	ssyncadd.s32 $0xFFFFFFB0  }
0x7b: {  	_ =	swait.ge [sflag:s30], $0x50  }
0x7c: {  	[sflag:s30] =	ssyncset.done $0x0  }
0x7d: {  	[sflag:s30] =	ssyncadd.s32 $0xFFFFFFB0  }
0x7e: {  	[tilespmem:s31], [sflag:$0x4] =	stream.indirect.gather [hbm4b:s1+s26], $0x80, s23, s26, $0xb8;
	[tilespmem:$0x18E00] =	vst v63  }
0x7f: {  	_ = 	snop  }
0x80: {  	[spmem:s2] =	stream.indirect.scatter.add.f32 [tilespmem:s28], [sflag:$0x5], $0x80, s22, s26, $0xb8;
	[tilespmem:$0x18E00] =	vst v63  }
0x81: {  	_ =	swait.ge [sflag:s21], $0x2800  }
0x82: {  	[sflag:s21] =	ssyncset.done $0x0  }
0x83: {  	[sflag:s21] =	ssyncadd.s32 $0xFFFFD800  }
0x84: {  	[tilespmem:s4], [sflag:$0x1] =	stream.linear.gather [hbm4b:s15+s4], $0x50, $0x38;
	[tilespmem:$0x18E00] =	vst v63  }
0x85: {  	_ = 	snop  }
0x86: {  	[tilespmem:s22], [sflag:$0x1] =	stream.linear.gather [hbm4b:s16+s4], $0x50, $0x38;
	[tilespmem:$0x18E00] =	vst v63  }
0x87: {  	_ =	swait.ge [sflag:s0], $0x2800  }
0x88: {  	[sflag:s0] =	ssyncset.done $0x0  }
0x89: {  	[sflag:s0] =	ssyncadd.s32 $0xFFFFD800  }
0x8a: {  	_ =	swait.ge [sflag:s25], $0x50  }
0x8b: {  	[sflag:s25] =	ssyncset.done $0x0  }
0x8c: {  	[sflag:s25] =	ssyncadd.s32 $0xFFFFFFB0  }
0x8d: {  	_ =	swait.ge [sflag:s25], $0x50  }
0x8e: {  	[sflag:s25] =	ssyncset.done $0x0  }
0x8f: {  	[sflag:s25] =	ssyncadd.s32 $0xFFFFFFB0  }
0x90: {  	[tilespmem:s28], [sflag:$0x3] =	stream.indirect.gather [hbm4b:s1+s26], $0x80, s4, s26, $0xb8;
	[tilespmem:$0x18E00] =	vst v63  }
0x91: {  	_ = 	snop  }
0x92: {  	[spmem:s2] =	stream.indirect.scatter.add.f32 [tilespmem:s31], [sflag:$0x5], $0x80, s24, s26, $0xb8;
	[tilespmem:$0x18E00] =	vst v63  }
0x93: {  	_ =	swait.ge [sflag:s21], $0x2800  }
0x94: {  	[sflag:s21] =	ssyncset.done $0x0  }
0x95: {  	[sflag:s21] =	ssyncadd.s32 $0xFFFFD800  }
0x96: {  	_ =	swait.ge [sflag:s29], $0x2800  }
0x97: {  	[sflag:s29] =	ssyncset.done $0x0  }
0x98: {  	[sflag:s29] =	ssyncadd.s32 $0xFFFFD800  }
0x99: {  	[spmem:s2] =	stream.indirect.scatter.add.f32 [tilespmem:s28], [sflag:$0x5], $0x80, s22, s26, $0xb8;
	[tilespmem:$0x18E00] =	vst v63  }
0x9a: {  	_ =	swait.ge [sflag:s21], $0x2800  }
0x9b: {  	s3 =	sadd.s32 $0x1, s3;
	[sflag:s21] =	ssyncset.done $0x0  }
0x9c: {  	p0 =	sne.s32 s3, s14;
	[sflag:s21] =	ssyncadd.s32 $0xFFFFD800  }
.Ltmp1:
0x9d: {  	[bflag:$0x0] =	sbarrier.arrive $0xFFFF;
	(pc) =	sbr.rel @p0 .LBB2_1-.Ltmp1, $4  }
0x9e: {  	[hbm:s13], [sflag:s8] =	dma.local [spmem:s20], $0x2780  }
0x9f: {  	_ =	swait.ge [sflag:s21], $0x2780  }
0xa0: {  	[sflag:s21] =	ssyncset.done $0x0  }
0xa1: {  	[sflag:s21] =	ssyncadd.s32 $0xFFFFD880  }
0xa2: {  	_ =	sfence.sel $0x180000  }
0xa3: {  	[bflag:$0x0] =	sbarrier.arrive $0xFFFF  }
0xa4: {  	_ =	strace $0x90000050  }
0xa5: {  	s0 =	stileid.u32;
	[bflag:$0x2] =	sbarrier.arrive $0xFFFF  }
0xa6: {  	p0 =	sne.s32 s0, $0x0;
	s0 =	rddreg [dreg:$0x3]  }
0xa7: {  	s0 =	sadd.s32 @!p0 $0x100000, s0  }
0xa8: {  	[sflag:s0] =	ssyncadd.tile.s32 @!p0 $0x1;
	_ =	shalt  }
.Lfunc_end2:
_tile_overlayer_lowered:
.L_overlay_start_2:
0xa9: {  	(tag) =	ssettag $0x2  }
0xaa: {  	s0 =	rddreg [dreg:$0x0];
	s2 =	stileid.u32  }
0xab: {  	s1 =	rddreg [dreg:$0x1];
	p0 =	sne.s32 s2, $0x0  }
0xac: {  	s3 =	rddreg [dreg:$0x2];
	[bflag:$0x3] =	sbarrier.arrive $0xFFFF;
	s2 =	simm.s32 @!p0 $0x1C05  }
0xad: {  	[timem:s3], [sflag:s2] =	dma.local @!p0 [hbm:s0], s1  }
0xae: {  	s0 =	simm.s32 @!p0 $0x5  }
0xaf: {  	_ =	swait.ge @!p0 [sflag:s0], s1  }
0xb0: {  	s1 =	ssub.s32 @!p0 $0x0, s1;
	[sflag:s0] =	ssyncset.done @!p0 $0x0  }
0xb1: {  	[sflag:s0] =	ssyncadd.s32 @!p0 s1  }
0xb2: {  	[bflag:$0x3] =	sbarrier.arrive $0xFFFF  }
0xb3: {  	_ =	shalt  }

// kernel: kernel.9.cloned.1.call-start
scs
__scs_entry_jumppad:
0x0: {  	(pc) =	sbr.rel $0x88, $3  }
0x1: {  	(tag) =	ssettag $0x0;
	lr =	simm.s32 $0x1  }
0x2: {  	[smem:$0x3F92] =	sst lr;
	_ =	strace $0xD0000000  }
0x3: {  	_ = 	snop  }
0x4: {  	_ = 	snop  }
0x5: {  	_ = 	snop  }
0x6: {  	_ = 	snop  }
0x7: {  	_ = 	snop  }
__scs_overlays_trampoline_lowered:
0x8: {  	[smem:$0x3FA1] =	sst s0  }
0x9: {  	[smem:$0x3FA2] =	sst s1  }
0xa: {  	[smem:$0x3FA3] =	sst s2  }
0xb: {  	[smem:$0x3FA4] =	sst s3  }
0xc: {  	[smem:$0x3FA5] =	sst s4  }
0xd: {  	[smem:$0x3FA6] =	sst s5  }
0xe: {  	[smem:$0x3FA7] =	sst s6  }
0xf: {  	[smem:$0x3FA8] =	sst s7  }
0x10: {  	[smem:$0x3FA9] =	sst s8  }
0x11: {  	[smem:$0x3FAA] =	sst s9;
	s0 =	simm.s32 @!p0 $0x0  }
0x12: {  	s1 =	sld [smem:$0x3F90];
	s0 =	simm.s32 @p0 $0x1  }
0x13: {  	[smem:$0x3FAB] =	sst s0;
	s0 =	simm.s32 @!p1 $0x0  }
0x14: {  	s2 =	sld [smem:$0x3F8F];
	s0 =	simm.s32 @p1 $0x1  }
0x15: {  	[smem:$0x3FAC] =	sst s0;
	s0 =	simm.s32 @!p2 $0x0  }
0x16: {  	s3 =	sld [smem:$0x3FDB];
	s0 =	simm.s32 @p2 $0x1  }
0x17: {  	s4 =	simm.s32 $0x1BF5;
	[smem:$0x3FAE] =	sst s0  }
0x18: {  	s0 =	sld [smem:$0x3F91];
	_ =	swait.ge [sflag:s4], $0x0  }
0x19: {  	s7 =	sld [smem:$0x3F92]  }
0x1a: {  	s8 =	sadd.s32 $0xFFFFE003, lr  }
0x1b: {  	s9 =	sadd.s32 $0xFFFFFEF7, lr;
	s5 =	simm.s32 $0xFFFFFFFF;
	p2 =	slt.u32 s8, $0xFFFFF086  }
0x1c: {  	p1 =	slt.u32 s9, $0xF7A;
	s5 =	simm.s32 @!p2 $0x0  }
0x1d: {  	s5 =	simm.s32 @p1 $0x1;
	p0 =	seq.s32 s7, s2  }
0x1e: {  	s7 =	smul.u32 @!p0 $0xF7A, s2;
	p2 =	seq.s32 @!p0 s5, $0x0  }
0x1f: {  	s9 =	smul.u32 $0xF7A, s1;
	s8 =	simm.s32 @!p0 $0x1BF5;
	p2 =	por !p2, p0  }
0x20: {  	[sflag:s8] =	ssyncset.s32 @!p0 $0xFFFFF086;
	s6 =	sadd.s32 @!p0 s3, s7;
	s7 =	simm.s32 @!p0 $0x108  }
0x21: {  	s3 =	sadd.s32 s3, s9;
	s6 =	sadd.s32 @!p0 $0x88, s6;
	s7 =	simm.s32 @p2 $0x1082  }
0x22: {  	[simem:s7], [sflag:s8] =	dma.local @!p0 [hbm:s6], $0xF7A  }
0x23: {  	s9 =	sor.u32 $0xD0000000, s2;
	s6 =	simm.s32 $0x108;
	_ =	swait.ge @!p0 [sflag:s8], $0x0  }
0x24: {  	s3 =	sadd.s32 $0x88, s3;
	s6 =	simm.s32 @!p1 $0x1082;
	[sflag:s4] =	ssyncset.s32 $0xFFFFF086  }
0x25: {  	[simem:s6], [sflag:s4] =	dma.local [hbm:s3], $0xF7A  }
0x26: {  	[smem:$0x3F92] =	sst s1;
	(tag) =	ssettag s2;
	_ =	strace s9  }
0x27: {  	s1 =	sld [smem:$0x3FA2]  }
0x28: {  	s2 =	sld [smem:$0x3FA3]  }
0x29: {  	s4 =	sld [smem:$0x3FA5]  }
0x2a: {  	p0 =	seq.s32 s5, $0x0;
	s5 =	sld [smem:$0x3FA6]  }
0x2b: {  	s6 =	sld [smem:$0x3FA7]  }
0x2c: {  	s7 =	sld [smem:$0x3FA8]  }
0x2d: {  	s3 =	simm.s32 $0x108;
	s8 =	sld [smem:$0x3FA9]  }
0x2e: {  	s3 =	simm.s32 @!p0 $0x1082;
	s9 =	sld [smem:$0x3FAA]  }
0x2f: {  	lr =	sadd.s32 s0, s3;
	s0 =	sld [smem:$0x3FA1]  }
0x30: {  	s3 =	sld [smem:$0x3FA4]  }
0x31: {  	[smem:$0x3FAD] =	sst s10  }
0x32: {  	s10 =	sld [smem:$0x3FAB];
	_ =	sdelay $0x3  }
0x33: {  	p0 =	seq.s32 s10, $0x1;
	s10 =	sld [smem:$0x3FAD];
	_ =	sdelay $0x3  }
0x34: {  	[smem:$0x3FAD] =	sst s10  }
0x35: {  	s10 =	sld [smem:$0x3FAC];
	_ =	sdelay $0x3  }
0x36: {  	p1 =	seq.s32 s10, $0x1;
	s10 =	sld [smem:$0x3FAD];
	_ =	sdelay $0x3  }
0x37: {  	[smem:$0x3FAD] =	sst s10  }
0x38: {  	s10 =	sld [smem:$0x3FAE]  }
0x39: {  	_ = 	snop;
	(pc) =	sbr.ind lr, $3  }
0x3a: {  	_ = 	snop  }
0x3b: {  	_ = 	snop  }
0x3c: {  	p2 =	seq.s32 s10, $0x1;
	s10 =	sld [smem:$0x3FAD]  }
0x3d: {  	_ =	shalt  }
0x3e: {  	_ =	shalt  }
0x3f: {  	_ =	shalt  }
0x40: {  	_ =	shalt  }
0x41: {  	_ =	shalt  }
0x42: {  	_ =	shalt  }
0x43: {  	_ =	shalt  }
0x44: {  	_ =	shalt  }
0x45: {  	_ =	shalt  }
0x46: {  	_ =	shalt  }
0x47: {  	_ =	shalt  }
0x48: {  	_ =	shalt  }
0x49: {  	_ =	shalt  }
0x4a: {  	_ =	shalt  }
0x4b: {  	_ =	shalt  }
0x4c: {  	_ =	shalt  }
0x4d: {  	_ =	shalt  }
0x4e: {  	_ =	shalt  }
0x4f: {  	_ =	shalt  }
0x50: {  	_ =	shalt  }
0x51: {  	_ =	shalt  }
0x52: {  	_ =	shalt  }
0x53: {  	_ =	shalt  }
0x54: {  	_ =	shalt  }
0x55: {  	_ =	shalt  }
0x56: {  	_ =	shalt  }
0x57: {  	_ =	shalt  }
0x58: {  	_ =	shalt  }
0x59: {  	_ =	shalt  }
0x5a: {  	_ =	shalt  }
0x5b: {  	_ =	shalt  }
0x5c: {  	_ =	shalt  }
0x5d: {  	_ =	shalt  }
0x5e: {  	_ =	shalt  }
0x5f: {  	_ =	shalt  }
0x60: {  	_ =	shalt  }
0x61: {  	_ =	shalt  }
0x62: {  	_ =	shalt  }
0x63: {  	_ =	shalt  }
0x64: {  	_ =	shalt  }
0x65: {  	_ =	shalt  }
0x66: {  	_ =	shalt  }
0x67: {  	_ =	shalt  }
0x68: {  	_ =	shalt  }
0x69: {  	_ =	shalt  }
0x6a: {  	_ =	shalt  }
0x6b: {  	_ =	shalt  }
0x6c: {  	_ =	shalt  }
0x6d: {  	_ =	shalt  }
0x6e: {  	_ =	shalt  }
0x6f: {  	_ =	shalt  }
0x70: {  	_ =	shalt  }
0x71: {  	_ =	shalt  }
0x72: {  	_ =	shalt  }
0x73: {  	_ =	shalt  }
0x74: {  	_ =	shalt  }
0x75: {  	_ =	shalt  }
0x76: {  	_ =	shalt  }
0x77: {  	_ =	shalt  }
0x78: {  	_ =	shalt  }
0x79: {  	_ =	shalt  }
0x7a: {  	_ =	shalt  }
0x7b: {  	_ =	shalt  }
0x7c: {  	_ =	shalt  }
0x7d: {  	_ =	shalt  }
0x7e: {  	_ =	shalt  }
0x7f: {  	_ =	shalt  }
0x80: {  	_ =	shalt  }
0x81: {  	_ =	shalt  }
0x82: {  	_ =	shalt  }
0x83: {  	_ =	shalt  }
0x84: {  	_ =	shalt  }
0x85: {  	_ =	shalt  }
0x86: {  	_ =	shalt  }
0x87: {  	_ =	shalt  }
.Lfunc_end0:
.L_simem_size_0:
called_computation_lowered:
.L_overlay_start_0:
0x88: {  	s2 =	sld [smem:$0x3FD9]  }
0x89: {  	s3 =	sld [smem:$0x3FFE];
	_ =	sdelay $0x1  }
0x8a: {  	s1 =	srdreg.scid  }
0x8b: {  	s0 =	sand.u32 $0x1, s1  }
0x8c: {  	s17 =	sshll.u32 s0, $0xA;
	s2 =	sadd.s32 s3, s2  }
0x8d: {  	s2 =	sadd.s32 s2, s17  }
0x8e: {  	[smem:$0x3FB9] =	sst s2  }
0x8f: {  	_ = 	snop  }
0x90: {  	s18 =	sld [smem:$0x3FD0];
	(tm) =	ssettm $0x1  }
0x91: {  	s19 =	sld [smem:$0x3FFB];
	_ =	sdelay $0x3  }
0x92: {  	_ =	strace s19  }
0x93: {  	s2 =	sld [smem:$0x3FFC];
	_ =	sdelay $0x3  }
0x94: {  	_ =	strace s2  }
0x95: {  	s2 =	sld [smem:$0x3FFD];
	_ =	sdelay $0x3  }
0x96: {  	_ =	strace s2  }
0x97: {  	_ =	strace $0x8FFFFFFF  }
0x98: {  	s20 =	sld [smem:$0x3FDB];
	_ =	sdelay $0x1  }
0x99: {  	s4 =	simm.s32 $_scs_section_size  }
0x9a: {  	s5 =	simm.s32 $_size__tile_overlayer_lowered;
	s6 =	simm.s32 $_tile_overlayer_lowered  }
0x9b: {  	s7 =	simm.s32 $0x1BFF;
	s21 =	sshll.u32 s6, $0x1;
	s4 =	sadd.s32 s4, s20  }
0x9c: {  	s22 =	simm.s32 $0x0;
	s5 =	sshll.u32 s5, $0x1;
	s6 =	sadd.s32 s21, s4  }
0x9d: {  	[timem:s22], [sflag:s7] =	dma.local [hbm:s6], s5  }
0x9e: {  	_ =	swait.ge [sflag:s7], s5  }
0x9f: {  	s5 =	ssub.s32 $0x0, s5;
	[sflag:s7] =	ssyncset.done $0x0  }
0xa0: {  	[sflag:s7] =	ssyncadd.s32 s5;
	_ =	sdelay $0x1  }
0xa1: {  	s23 =	simm.s32 $0x1B8B  }
0xa2: {  	_ =	swait.ge [sflag:s23], $0x1  }
0xa3: {  	[sflag:s23] =	ssyncset.done $0x0  }
0xa4: {  	[sflag:s23] =	ssyncadd.s32 $0xFFFFFFFF  }
0xa5: {  	s5 =	sld [smem:$0x0]  }
0xa6: {  	s6 =	sand.u32 $0xFFFFFFFE, s1  }
0xa7: {  	p0 =	sne.s32 s1, s6  }
0xa8: {  	s6 =	sshll.u32 @p0 s6, $0xE  }
0xa9: {  	s6 =	sadd.s32 @p0 $0x11B8D, s6;
	s7 =	sshll.u32 @p0 s5, $0x11  }
0xaa: {  	s6 =	sor.u32 @p0 s7, s6  }
0xab: {  	[sflag:s6] =	ssyncadd.remote.s32 @p0 $0x1;
	_ =	sdelay $0x1  }
0xac: {  	s6 =	simm.s32 @p0 $0x1B8D  }
0xad: {  	_ =	swait.eq @p0 [sflag:s6], $0x1  }
0xae: {  	[sflag:s6] =	ssyncadd.s32 @p0 $0xFFFFFFFF  }
0xaf: {  	s7 =	sshll.u32 @!p0 s1, $0xE  }
0xb0: {  	s7 =	sor.u32 @!p0 $0x4000, s7;
	s6 =	simm.s32 @!p0 $0x1B8D  }
0xb1: {  	s5 =	sshll.u32 @!p0 s5, $0x11;
	s7 =	sadd.s32 @!p0 $0x11B8D, s7;
	_ =	swait.eq @!p0 [sflag:s6], $0x1  }
0xb2: {  	s5 =	sor.u32 @!p0 s5, s7;
	[sflag:s6] =	ssyncadd.s32 @!p0 $0xFFFFFFFF  }
0xb3: {  	s25 =	simm.s32 $0x1B8E;
	s24 =	sld [smem:$0x3FFE];
	[sflag:s5] =	ssyncadd.remote.s32 @!p0 $0x1  }
0xb4: {  	s26 =	simm.s32 $execute0_lowered;
	[smem:$0x3FD2] =	sst s25  }
0xb5: {  	s6 =	sshll.u32 s26, $0x1;
	_ =	strace $0x80000049;
	[dreg:$0x1] =	wrdreg $0xFFFFFFFF  }
0xb6: {  	s28 =	simm.s32 $_size_execute0_lowered;
	s4 =	sadd.s32 s4, s6;
	[dreg:$0x0] =	wrdreg $0x0  }
0xb7: {  	s6 =	sshll.u32 s28, $0x1;
	[dreg:$0x2] =	wrdreg s4  }
0xb8: {  	[dreg:$0x3] =	wrdreg s6  }
0xb9: {  	[dreg:$0x4] =	wrdreg $0xC0  }
0xba: {  	_ =	task [dreg:s22], $0x5FFFF  }
0xbb: {  	[dreg:$0x1] =	wrdreg $0xFFFFFFFF  }
0xbc: {  	[dreg:$0x0] =	wrdreg $0x60  }
0xbd: {  	[dreg:$0x2] =	wrdreg s24  }
0xbe: {  	[dreg:$0x3] =	wrdreg s18  }
0xbf: {  	[dreg:$0x4] =	wrdreg $0x29000  }
0xc0: {  	[dreg:$0x5] =	wrdreg $0x9  }
0xc1: {  	_ =	task.clear_ibuf [dreg:s22], $0x6FFFF;
	_ =	strace $0x90000049  }
0xc2: {  	s29 =	simm.s32 $0x9;
	_ =	strace $0x8000004B  }
0xc3: {  	_ =	swait.ge [sflag:s29], $0x1  }
0xc4: {  	[sflag:s29] =	ssyncadd.s32 $0xFFFFFFFF  }
0xc5: {  	_ =	strace $0x9000004B  }
0xc6: {  	_ =	sfence  }
0xc7: {  	s30 =	sld [smem:$0x0];
	_ =	sdelay $0x2  }
0xc8: {  	s31 =	sshll.u32 s1, $0xD;
	s1 =	sshrl.u32 s1, $0x2  }
0xc9: {  	s4 =	sand.u32 $0x4000, s31;
	s1 =	sadd.s32 s1, s30  }
0xca: {  	s0 =	sor.u32 s4, s0;
	s1 =	sshll.u32 s1, $0x11  }
0xcb: {  	s0 =	sor.u32 s1, s0  }
0xcc: {  	s0 =	sadd.s32 $0x8F2B, s0  }
0xcd: {  	[sflag:s0] =	ssyncadd.remote.s32 $0x1  }
0xce: {  	_ =	sfence.sel $0xFFFF  }
0xcf: {  	[dreg:$0x0] =	wrdreg $0xFFFFFFFF;
	(pc) =	sbr.abs _section_cstart, $3  }
0xd0: {  	[dreg:$0x1] =	wrdreg $0xFFFFFFFF  }
0xd1: {  	_ =	task.clear_ibuf [dreg:s22], $0x2FFFF;
	_ =	strace $0x9FFFFFFF  }
0xd2: {  	(tm) =	ssettm $0x7FFFFFFF  }
0xd3: {  	_ =	shalt  }
tec
execute0_lowered:
.L_overlay_start_1:
0x0: {  	(tag) =	ssettag $0x1  }
0x1: {  	s7 =	rddreg [dreg:$0x0]  }
0x2: {  	s1 =	rddreg [dreg:$0x1]  }
0x3: {  	s2 =	rddreg [dreg:$0x2]  }
0x4: {  	s0 =	rddreg [dreg:$0x3];
	s4 =	simm.s32 $0x0;
	s3 =	srdreg.scid  }
0x5: {  	s16 =	simm.s32 $0x5;
	s17 =	simm.s32 $0x100;
	s18 =	simm.s32 $0x80  }
0x6: {  	s19 =	simm.s32 $0x1;
	s20 =	simm.s32 $0x50;
	s8 =	sand.u32 $0x1, s3  }
0x7: {  	s21 =	simm.s32 $0x2;
	s3 =	stileid.u32;
	s9 =	smul.u32 $0x13C000, s8  }
0x8: {  	[smem:$0x7FF] =	sst s4;
	s5 =	sadd.s32 $0x3600, s7;
	s10 =	smul.u32 $0x13C00, s3  }
0x9: {  	s6 =	sadd.s32 $0x17200, s7;
	_ =	strace $0x8000004A;
	s23 =	smul.u32 $0x4F000, s3  }
0xa: {  	s11 =	sshll.u32 s3, $0x1;
	s12 =	ssub.s32 $0x2, s8;
	s25 =	smul.u32 $0x4E20, s3  }
0xb: {  	s28 =	smul.u32 $0x2710, s8;
	s29 =	sshll.u32 s3, $0x6;
	s22 =	sor.u32 s8, s11  }
0xc: {  	s24 =	sshrl.u32 s12, $0x1;
	s9 =	sadd.s32 s10, s9;
	s10 =	smul.u32 $0x2710, s22  }
0xd: {  	s12 =	ssub.s32 s12, s24;
	s26 =	sshrl.u32 s23, $0x2;
	s14 =	sadd.s32 s28, s25  }
0xe: {  	s22 =	simm.s32 $0x3;
	s23 =	simm.s32 $0x4;
	s24 =	simm.s32 $0x0  }
0xf: {  	s9 =	sshrl.u32 s9, $0x3;
	s15 =	sadd.s32 s26, s2;
	s31 =	sadd.s32 $0xF0, s14  }
0x10: {  	s11 =	smax.u32 s12, $0x1;
	s14 =	sadd.s32 $0xA0, s14;
	s13 =	sadd.s32 s9, s7  }
0x11: {  	s30 =	sshrl.u32 s10, $0x3;
	s7 =	sor.u32 $0x1C05, s29;
	s15 =	sshrl.u32 s15, $0x3  }
0x12: {  	s8 =	sadd.s32 s5, s30;
	s10 =	sadd.s32 $0x68A00, s13;
	s13 =	sshrl.u32 s31, $0x3  }
0x13: {  	s9 =	sadd.s32 $0xA, s8;
	s12 =	sadd.s32 $0x4D8, s8;
	s13 =	sadd.s32 s13, s5  }
.LBB2_1:
0x14: {  	[spmem:s15], [sflag:s7] =	dma.local [hbm:s6], $0x2780  }
0x15: {  	_ =	swait.ge [sflag:s16], $0x2780  }
0x16: {  	[sflag:s16] =	ssyncset.done $0x0  }
0x17: {  	[sflag:s16] =	ssyncadd.s32 $0xFFFFD880  }
0x18: {  	[tilespmem:s17], [sflag:$0x5] =	stream.linear.gather [hbm4b:s1+s4], $0x2800, $0x38;
	[tilespmem:$0x16500] =	vst v63  }
0x19: {  	_ =	swait.ge [sflag:s16], $0x2800  }
0x1a: {  	[sflag:s16] =	ssyncset.done $0x0  }
0x1b: {  	[sflag:s16] =	ssyncadd.s32 $0xFFFFD800  }
0x1c: {  	[bflag:$0x0] =	sbarrier.arrive $0xFFFF  }
0x1d: {  	[tilespmem:s4], [sflag:$0x1] =	stream.linear.gather [hbm4b:s8+s4], $0x50, $0x38;
	[tilespmem:$0x16500] =	vst v63  }
0x1e: {  	_ = 	snop  }
0x1f: {  	[tilespmem:s18], [sflag:$0x2] =	stream.linear.gather [hbm4b:s9+s4], $0x50, $0x38;
	[tilespmem:$0x16500] =	vst v63  }
0x20: {  	_ =	swait.ge [sflag:s19], $0x50  }
0x21: {  	[sflag:s19] =	ssyncset.done $0x0  }
0x22: {  	[sflag:s19] =	ssyncadd.s32 $0xFFFFFFB0  }
0x23: {  	[spmem:s2] =	stream.indirect.scatter.add.f32 [tilespmem:s17], [sflag:$0x3], $0x80, s4, s20, $0xb8;
	[tilespmem:$0x16500] =	vst v63  }
0x24: {  	_ =	swait.ge [sflag:s21], $0x50  }
0x25: {  	[sflag:s21] =	ssyncset.done $0x0  }
0x26: {  	[sflag:s21] =	ssyncadd.s32 $0xFFFFFFB0  }
0x27: {  	[spmem:s2] =	stream.indirect.scatter.add.f32 [tilespmem:s17], [sflag:$0x4], $0x80, s18, s20, $0xb8;
	[tilespmem:$0x16500] =	vst v63  }
0x28: {  	_ =	swait.ge [sflag:s22], $0x2800  }
0x29: {  	s25 =	sshrl.u32 s14, $0x3;
	[sflag:s22] =	ssyncset.done $0x0  }
0x2a: {  	s25 =	sadd.s32 s5, s25;
	[sflag:s22] =	ssyncadd.s32 $0xFFFFD800  }
0x2b: {  	[tilespmem:s4], [sflag:$0x1] =	stream.linear.gather [hbm4b:s25+s4], $0x50, $0x38;
	[tilespmem:$0x16500] =	vst v63  }
0x2c: {  	_ =	swait.ge [sflag:s19], $0x50  }
0x2d: {  	[sflag:s19] =	ssyncset.done $0x0  }
0x2e: {  	[sflag:s19] =	ssyncadd.s32 $0xFFFFFFB0  }
0x2f: {  	[spmem:s2] =	stream.indirect.scatter.add.f32 [tilespmem:s17], [sflag:$0x3], $0x80, s4, s20, $0xb8;
	[tilespmem:$0x16500] =	vst v63  }
0x30: {  	_ =	swait.ge [sflag:s23], $0x2800  }
0x31: {  	s28 =	sadd.s32 $0x0, s13;
	[sflag:s23] =	ssyncset.done $0x0  }
0x32: {  	s26 =	sadd.s32 $0xA0, s14;
	s25 =	simm.s32 $0x14;
	[sflag:s23] =	ssyncadd.s32 $0xFFFFD800  }
.LBB2_2:
0x33: {  	[tilespmem:s18], [sflag:$0x2] =	stream.linear.gather [hbm4b:s28+s4], $0x50, $0x38;
	[tilespmem:$0x16500] =	vst v63  }
0x34: {  	s28 =	smov.u32 s25  }
0x35: {  	p0 =	sne.s32 s25, $0x4B0;
	s25 =	sadd.s32 $0x14, s25;
	_ =	swait.ge [sflag:s21], $0x50  }
0x36: {  	[sflag:s21] =	ssyncset.done $0x0  }
0x37: {  	[sflag:s21] =	ssyncadd.s32 $0xFFFFFFB0  }
0x38: {  	[spmem:s2] =	stream.indirect.scatter.add.f32 [tilespmem:s17], [sflag:$0x4], $0x80, s18, s20, $0xb8;
	[tilespmem:$0x16500] =	vst v63  }
0x39: {  	_ =	swait.ge [sflag:s22], $0x2800  }
0x3a: {  	s29 =	sshrl.u32 s26, $0x3;
	[sflag:s22] =	ssyncset.done $0x0  }
0x3b: {  	s29 =	sadd.s32 s5, s29;
	[sflag:s22] =	ssyncadd.s32 $0xFFFFD800  }
0x3c: {  	[tilespmem:s4], [sflag:$0x1] =	stream.linear.gather [hbm4b:s29+s4], $0x50, $0x38;
	[tilespmem:$0x16500] =	vst v63  }
0x3d: {  	_ =	swait.ge [sflag:s19], $0x50  }
0x3e: {  	[sflag:s19] =	ssyncset.done $0x0  }
.Ltmp0:
0x3f: {  	[sflag:s19] =	ssyncadd.s32 $0xFFFFFFB0;
	(pc) =	sbr.rel @p0 .LBB2_2-.Ltmp0, $4  }
0x40: {  	[spmem:s2] =	stream.indirect.scatter.add.f32 [tilespmem:s17], [sflag:$0x3], $0x80, s4, s20, $0xb8;
	[tilespmem:$0x16500] =	vst v63  }
0x41: {  	_ =	swait.ge [sflag:s23], $0x2800  }
0x42: {  	[sflag:s23] =	ssyncset.done $0x0  }
0x43: {  	s26 =	sadd.s32 $0xA0, s26;
	s28 =	sadd.s32 s28, s13;
	[sflag:s23] =	ssyncadd.s32 $0xFFFFD800  }
0x44: {  	[tilespmem:s18], [sflag:$0x2] =	stream.linear.gather [hbm4b:s28+s4], $0x50, $0x38;
	[tilespmem:$0x16500] =	vst v63  }
0x45: {  	_ =	swait.ge [sflag:s21], $0x50  }
0x46: {  	[sflag:s21] =	ssyncset.done $0x0  }
0x47: {  	[sflag:s21] =	ssyncadd.s32 $0xFFFFFFB0  }
0x48: {  	[spmem:s2] =	stream.indirect.scatter.add.f32 [tilespmem:s17], [sflag:$0x4], $0x80, s18, s20, $0xb8;
	[tilespmem:$0x16500] =	vst v63  }
0x49: {  	_ =	swait.ge [sflag:s22], $0x2800  }
0x4a: {  	[sflag:s22] =	ssyncset.done $0x0  }
0x4b: {  	[sflag:s22] =	ssyncadd.s32 $0xFFFFD800  }
0x4c: {  	[tilespmem:s4], [sflag:$0x1] =	stream.linear.gather [hbm4b:s12+s4], $0x50, $0x38;
	[tilespmem:$0x16500] =	vst v63  }
0x4d: {  	_ =	swait.ge [sflag:s19], $0x50  }
0x4e: {  	[sflag:s19] =	ssyncset.done $0x0  }
0x4f: {  	[sflag:s19] =	ssyncadd.s32 $0xFFFFFFB0  }
0x50: {  	[spmem:s2] =	stream.indirect.scatter.add.f32 [tilespmem:s17], [sflag:$0x3], $0x80, s4, s20, $0xb8;
	[tilespmem:$0x16500] =	vst v63  }
0x51: {  	_ =	swait.ge [sflag:s23], $0x2800  }
0x52: {  	[sflag:s23] =	ssyncset.done $0x0  }
0x53: {  	[sflag:s23] =	ssyncadd.s32 $0xFFFFD800  }
0x54: {  	_ =	swait.ge [sflag:s22], $0x2800  }
0x55: {  	s24 =	sadd.s32 $0x1, s24;
	[sflag:s22] =	ssyncset.done $0x0  }
0x56: {  	p0 =	sne.s32 s24, s11;
	[sflag:s22] =	ssyncadd.s32 $0xFFFFD800  }
.Ltmp1:
0x57: {  	[bflag:$0x0] =	sbarrier.arrive $0xFFFF;
	(pc) =	sbr.rel @p0 .LBB2_1-.Ltmp1, $4  }
0x58: {  	[hbm:s10], [sflag:s7] =	dma.local [spmem:s15], $0x2780  }
0x59: {  	_ =	swait.ge [sflag:s16], $0x2780  }
0x5a: {  	[sflag:s16] =	ssyncset.done $0x0  }
0x5b: {  	[sflag:s16] =	ssyncadd.s32 $0xFFFFD880  }
0x5c: {  	_ =	sfence.sel $0x180000  }
0x5d: {  	[bflag:$0x0] =	sbarrier.arrive $0xFFFF  }
0x5e: {  	p0 =	sne.s32 s3, $0x0;
	_ =	strace $0x9000004A  }
0x5f: {  	s0 =	sadd.s32 @!p0 $0x100000, s0;
	[bflag:$0x2] =	sbarrier.arrive $0xFFFF  }
0x60: {  	[sflag:s0] =	ssyncadd.tile.s32 @!p0 $0x1;
	_ =	shalt  }
.Lfunc_end2:
_tile_overlayer_lowered:
.L_overlay_start_2:
0x61: {  	(tag) =	ssettag $0x2  }
0x62: {  	s0 =	rddreg [dreg:$0x0];
	s2 =	stileid.u32  }
0x63: {  	s1 =	rddreg [dreg:$0x1];
	p0 =	sne.s32 s2, $0x0  }
0x64: {  	s3 =	rddreg [dreg:$0x2];
	[bflag:$0x3] =	sbarrier.arrive $0xFFFF;
	s2 =	simm.s32 @!p0 $0x1C05  }
0x65: {  	[timem:s3], [sflag:s2] =	dma.local @!p0 [hbm:s0], s1  }
0x66: {  	s0 =	simm.s32 @!p0 $0x5  }
0x67: {  	_ =	swait.ge @!p0 [sflag:s0], s1  }
0x68: {  	s1 =	ssub.s32 @!p0 $0x0, s1;
	[sflag:s0] =	ssyncset.done @!p0 $0x0  }
0x69: {  	[sflag:s0] =	ssyncadd.s32 @!p0 s1  }
0x6a: {  	[bflag:$0x3] =	sbarrier.arrive $0xFFFF  }
0x6b: {  	_ =	shalt  }

</sc_bundles>
